<compile_context>
chip_gen: v7x
topology: tpu7x:2x2x1
jax: 0.10.2.dev20260603
libtpu: 0.0.44.dev20260713+nightly
codegen_flags: <defaults>
</compile_context>

<pallas_src>
import functools

import jax
import jax.numpy as jnp
from jax import lax
from jax.experimental import pallas as pl
from jax.experimental.pallas import tpu as pltpu
from jax.experimental.pallas import tpu_sc as plsc

D = 32
L = 16
NW = 32
CHUNK = 128


@functools.lru_cache(maxsize=None)
def _build(B):
    BPW = B // NW
    NCH = BPW // CHUNK
    mesh = plsc.VectorSubcoreMesh(core_axis_name="c", subcore_axis_name="s")

    @functools.partial(
        pl.kernel,
        mesh=mesh,
        compiler_params=pltpu.CompilerParams(
            use_tc_tiling_on_sc=False, needs_layout_passes=False),
        out_type=jax.ShapeDtypeStruct((B,), jnp.float32),
        scratch_types=[
            pltpu.VMEM((NCH, CHUNK), jnp.int32),
            pltpu.VMEM((NCH, CHUNK), jnp.int32),
            pltpu.VMEM((BPW, D), jnp.float32),
            pltpu.VMEM((BPW, D), jnp.float32),
            pltpu.VMEM((BPW,), jnp.float32),
            pltpu.VMEM((BPW,), jnp.float32),
            pltpu.VMEM((L,), jnp.float32),
            pltpu.VMEM((BPW,), jnp.float32),
            pltpu.SemaphoreType.DMA,
        ],
    )
    def sc_kernel(ui_hbm, ii_hbm, ue_hbm, ie_hbm, ub_hbm, ib_hbm, gb_hbm,
                  out_hbm, ui_v, ii_v, ue_v, ie_v, ub_v, ib_v, gb_v, pred_v,
                  sem):
        wid = lax.axis_index("s") * 2 + lax.axis_index("c")
        base = wid * BPW

        pltpu.sync_copy(ui_hbm.at[pl.ds(wid * NCH, NCH)], ui_v)
        pltpu.sync_copy(ii_hbm.at[pl.ds(wid * NCH, NCH)], ii_v)
        pltpu.sync_copy(gb_hbm, gb_v)

        ub_flat = ub_hbm.at[0]
        ib_flat = ib_hbm.at[0]

        copies = []
        for j in range(NCH):
            sl = pl.ds(j * CHUNK, CHUNK)
            copies.append(pltpu.async_copy(ue_hbm.at[ui_v.at[j]], ue_v.at[sl], sem))
            copies.append(pltpu.async_copy(ie_hbm.at[ii_v.at[j]], ie_v.at[sl], sem))
            copies.append(pltpu.async_copy(ub_flat.at[ui_v.at[j]], ub_v.at[sl], sem))
            copies.append(pltpu.async_copy(ib_flat.at[ii_v.at[j]], ib_v.at[sl], sem))
        for c in copies:
            c.wait()

        gbs = gb_v[...]

        def body(g, carry):
            row0 = g * L
            sl = pl.ds(row0, L)
            riota = lax.iota(jnp.int32, L) + row0
            acc = jnp.zeros((L,), jnp.float32)
            for j in range(D):
                cj = jnp.full((L,), j, jnp.int32)
                u = plsc.load_gather(ue_v, [riota, cj])
                t = plsc.load_gather(ie_v, [riota, cj])
                acc = acc + jnp.maximum(u, 0.0) * jnp.maximum(t, 0.0)
            pred_v[sl] = acc + ub_v[sl] + ib_v[sl] + gbs
            return carry

        lax.fori_loop(0, BPW // L, body, 0)
        pltpu.sync_copy(pred_v, out_hbm.at[pl.ds(base, BPW)])

    return sc_kernel


def kernel(user_indices, item_indices, user_emb, item_emb, user_bias,
           item_bias, global_bias):
    B = user_indices.shape[0]
    ui = user_indices.reshape(B // CHUNK, CHUNK)
    ii = item_indices.reshape(B // CHUNK, CHUNK)
    gb = jnp.broadcast_to(global_bias, (L,))
    nb = user_bias.shape[0]
    return _build(B)(ui, ii, user_emb, item_emb, user_bias.reshape(1, nb),
                     item_bias.reshape(1, nb), gb)

# --- scband reference (transcript-rebuilt; emitter-appended) ---
"""Pipeline reference for scband-non-negative-matrix-factorization-63771674411145 (READ-ONLY COPY).

The authoritative reference and input builder live on the scoring server;
editing this copy changes nothing except your own understanding.
"""

import jax, jax.numpy as jnp
import numpy as np

NUM_USERS = 1000000 + 1
NUM_ITEMS = 1000000 + 1
D = 32
B = 16384


def setup_inputs(seed: int = 0) -> dict:
    key = jax.random.key(seed)
    k1, k2, k3, k4, k5, k6 = jax.random.split(key, 6)
    user_indices = jax.random.randint(k1, (B,), 0, 1000000).astype(jnp.int32)
    item_indices = jax.random.randint(k2, (B,), 0, 1000000).astype(jnp.int32)
    user_emb = jax.random.uniform(k3, (NUM_USERS, D), dtype=jnp.float32, minval=0.0, maxval=0.05)
    item_emb = jax.random.uniform(k4, (NUM_ITEMS, D), dtype=jnp.float32, minval=0.0, maxval=0.05)
    user_bias = jax.random.uniform(k5, (NUM_USERS, 1), dtype=jnp.float32, minval=0.0, maxval=0.01)
    item_bias = jax.random.uniform(k6, (NUM_ITEMS, 1), dtype=jnp.float32, minval=0.0, maxval=0.01)
    global_bias = jnp.array([2.5], dtype=jnp.float32)
    return {
        "user_indices": user_indices,
        "item_indices": item_indices,
        "user_emb": user_emb,
        "item_emb": item_emb,
        "user_bias": user_bias,
        "item_bias": item_bias,
        "global_bias": global_bias,
    }


def reference(user_indices, item_indices, user_emb, item_emb, user_bias, item_bias, global_bias):
    # Embedding gathers (SparseCore-friendly)
    ue = jnp.take(user_emb, user_indices, axis=0)
    ie = jnp.take(item_emb, item_indices, axis=0)
    # Non-negativity clamp (NMF)
    ue = jnp.clip(ue, 0.0, None)
    ie = jnp.clip(ie, 0.0, None)
    predictions = jnp.sum(ue * ie, axis=1)
    ub = jnp.take(user_bias, user_indices, axis=0).squeeze(-1)
    ib = jnp.take(item_bias, item_indices, axis=0).squeeze(-1)
    predictions = predictions + global_bias + ub + ib
    return predictions

if __name__ == "__main__":
    import jax
    _d = setup_inputs()
    print(jax.jit(kernel)(*tuple(_d.values())))

</pallas_src>

<mosaic_0001>
#map = affine_map<(d0, d1) -> (0, 0)>
#map1 = affine_map<(d0, d1) -> (0)>
module attributes {stable_mosaic.version = 14 : i64} {
  func.func @sc_kernel(%arg0: i32, %arg1: i32, %arg2: memref<128x128xi32, #tpu.memory_space<hbm>>, %arg3: memref<128x128xi32, #tpu.memory_space<hbm>>, %arg4: memref<1000001x32xf32, #tpu.memory_space<hbm>>, %arg5: memref<1000001x32xf32, #tpu.memory_space<hbm>>, %arg6: memref<1x1000001xf32, #tpu.memory_space<hbm>>, %arg7: memref<1x1000001xf32, #tpu.memory_space<hbm>>, %arg8: memref<16xf32, #tpu.memory_space<hbm>>, %arg9: memref<16384xf32, #tpu.memory_space<hbm>>, %arg10: memref<4x128xi32, #tpu.memory_space<vmem>>, %arg11: memref<4x128xi32, #tpu.memory_space<vmem>>, %arg12: memref<512x32xf32, #tpu.memory_space<vmem>>, %arg13: memref<512x32xf32, #tpu.memory_space<vmem>>, %arg14: memref<512xf32, #tpu.memory_space<vmem>>, %arg15: memref<512xf32, #tpu.memory_space<vmem>>, %arg16: memref<16xf32, #tpu.memory_space<vmem>>, %arg17: memref<512xf32, #tpu.memory_space<vmem>>, %arg18: memref<!tpu.dma_semaphore, #tpu.memory_space<semaphore_mem>>) attributes {dimension_semantics = [#tpu.dimension_semantics<core_parallel>, #tpu.dimension_semantics<subcore_parallel>], iteration_bounds = array<i64: 2, 16>, scalar_prefetch = 0 : i64, scratch_operands = 9 : i64, tpu.core_type = #tpu.core_type<sc_vector_subcore>, window_params = [{transform_indices = #map}, {transform_indices = #map}, {transform_indices = #map}, {transform_indices = #map}, {transform_indices = #map}, {transform_indices = #map}, {transform_indices = #map1}, {transform_indices = #map1}]} {
    %mul3A = arith.constant 2 : i32
    %mul3A_0 = arith.muli %arg1, %mul3A : i32
    %add3A = arith.addi %mul3A_0, %arg0 : i32
    %mul3A_1 = arith.constant 512 : i32
    %mul3A_2 = arith.muli %add3A, %mul3A_1 : i32
    %mul3A_3 = arith.constant 4 : i32
    %mul3A_4 = arith.muli %add3A, %mul3A_3 : i32
    "tpu.region"() ({
      %run_scoped3A = tpu.sem_alloc : memref<!tpu.dma_semaphore, #tpu.memory_space<semaphore_mem>>
      %dma_start3A_363 = arith.constant 0 : i32
      %dma_start3A_364 = tpu.memref_slice %arg2[%mul3A_4, %dma_start3A_363] : memref<128x128xi32, #tpu.memory_space<hbm>> -> memref<4x128xi32, #tpu.memory_space<hbm>>
      %dma_start3A_365 = arith.constant 0 : i32
      %dma_start3A_366 = tpu.memref_slice %arg2[%mul3A_4, %dma_start3A_365] : memref<128x128xi32, #tpu.memory_space<hbm>> -> memref<4x128xi32, #tpu.memory_space<hbm>>
      tpu.enqueue_dma source(%dma_start3A_366 : memref<4x128xi32, #tpu.memory_space<hbm>>) target(%arg10 : memref<4x128xi32, #tpu.memory_space<vmem>>) target_semaphore(%run_scoped3A : memref<!tpu.dma_semaphore, #tpu.memory_space<semaphore_mem>>)
      %dma_wait3A_367 = arith.constant 0 : i32
      %dma_wait3A_368 = tpu.memref_slice %arg2[%mul3A_4, %dma_wait3A_367] : memref<128x128xi32, #tpu.memory_space<hbm>> -> memref<4x128xi32, #tpu.memory_space<hbm>>
      %dma_wait3A_369 = arith.constant 0 : i32
      %dma_wait3A_370 = tpu.memref_slice %arg2[%mul3A_4, %dma_wait3A_369] : memref<128x128xi32, #tpu.memory_space<hbm>> -> memref<4x128xi32, #tpu.memory_space<hbm>>
      tpu.wait_dma2 semaphore(%run_scoped3A : memref<!tpu.dma_semaphore, #tpu.memory_space<semaphore_mem>>) src(%dma_wait3A_370 : memref<4x128xi32, #tpu.memory_space<hbm>>) dst(%arg10 : memref<4x128xi32, #tpu.memory_space<vmem>>)
      tpu.yield
    }) : () -> ()
    %mul3A_5 = arith.constant 4 : i32
    %mul3A_6 = arith.muli %add3A, %mul3A_5 : i32
    "tpu.region"() ({
      %run_scoped3A = tpu.sem_alloc : memref<!tpu.dma_semaphore, #tpu.memory_space<semaphore_mem>>
      %dma_start3A_363 = arith.constant 0 : i32
      %dma_start3A_364 = tpu.memref_slice %arg3[%mul3A_6, %dma_start3A_363] : memref<128x128xi32, #tpu.memory_space<hbm>> -> memref<4x128xi32, #tpu.memory_space<hbm>>
      %dma_start3A_365 = arith.constant 0 : i32
      %dma_start3A_366 = tpu.memref_slice %arg3[%mul3A_6, %dma_start3A_365] : memref<128x128xi32, #tpu.memory_space<hbm>> -> memref<4x128xi32, #tpu.memory_space<hbm>>
      tpu.enqueue_dma source(%dma_start3A_366 : memref<4x128xi32, #tpu.memory_space<hbm>>) target(%arg11 : memref<4x128xi32, #tpu.memory_space<vmem>>) target_semaphore(%run_scoped3A : memref<!tpu.dma_semaphore, #tpu.memory_space<semaphore_mem>>)
      %dma_wait3A_367 = arith.constant 0 : i32
      %dma_wait3A_368 = tpu.memref_slice %arg3[%mul3A_6, %dma_wait3A_367] : memref<128x128xi32, #tpu.memory_space<hbm>> -> memref<4x128xi32, #tpu.memory_space<hbm>>
      %dma_wait3A_369 = arith.constant 0 : i32
      %dma_wait3A_370 = tpu.memref_slice %arg3[%mul3A_6, %dma_wait3A_369] : memref<128x128xi32, #tpu.memory_space<hbm>> -> memref<4x128xi32, #tpu.memory_space<hbm>>
      tpu.wait_dma2 semaphore(%run_scoped3A : memref<!tpu.dma_semaphore, #tpu.memory_space<semaphore_mem>>) src(%dma_wait3A_370 : memref<4x128xi32, #tpu.memory_space<hbm>>) dst(%arg11 : memref<4x128xi32, #tpu.memory_space<vmem>>)
      tpu.yield
    }) : () -> ()
    "tpu.region"() ({
      %run_scoped3A = tpu.sem_alloc : memref<!tpu.dma_semaphore, #tpu.memory_space<semaphore_mem>>
      tpu.enqueue_dma source(%arg8 : memref<16xf32, #tpu.memory_space<hbm>>) target(%arg16 : memref<16xf32, #tpu.memory_space<vmem>>) target_semaphore(%run_scoped3A : memref<!tpu.dma_semaphore, #tpu.memory_space<semaphore_mem>>)
      tpu.wait_dma2 semaphore(%run_scoped3A : memref<!tpu.dma_semaphore, #tpu.memory_space<semaphore_mem>>) src(%arg8 : memref<16xf32, #tpu.memory_space<hbm>>) dst(%arg16 : memref<16xf32, #tpu.memory_space<vmem>>)
      tpu.yield
    }) : () -> ()
    %dma_start3A = arith.constant 0 : i32
    %dma_start3A_7 = arith.constant 0 : i32
    %dma_start3A_8 = arith.constant 0 : i32
    %dma_start3A_9 = tpu.memref_slice %arg12[%dma_start3A_7, %dma_start3A_8] : memref<512x32xf32, #tpu.memory_space<vmem>> -> memref<128x32xf32, #tpu.memory_space<vmem>>
    %dma_start3A_10 = arith.constant 0 : i32
    %dma_start3A_11 = tpu.memref_slice %arg10[%dma_start3A, %dma_start3A_10] : memref<4x128xi32, #tpu.memory_space<vmem>> -> memref<1x128xi32, #tpu.memory_space<vmem>>
    %dma_start3A_12 = tpu.memref_squeeze %dma_start3A_11 : memref<1x128xi32, #tpu.memory_space<vmem>> -> memref<128xi32, #tpu.memory_space<vmem>>
    %dma_start3A_13 = arith.constant 0 : i32
    %dma_start3A_14 = arith.constant 0 : i32
    %dma_start3A_15 = tpu.memref_slice %arg4[%dma_start3A_13, %dma_start3A_14] : memref<1000001x32xf32, #tpu.memory_space<hbm>> -> memref<1000001x32xf32, #tpu.memory_space<hbm>>
    tpu.enqueue_indirect_dma source(%dma_start3A_15 : memref<1000001x32xf32, #tpu.memory_space<hbm>>) target(%dma_start3A_9 : memref<128x32xf32, #tpu.memory_space<vmem>>) offsets(%dma_start3A_12 : memref<128xi32, #tpu.memory_space<vmem>>) semaphore(%arg18 : memref<!tpu.dma_semaphore, #tpu.memory_space<semaphore_mem>>)
    %dma_start3A_16 = arith.constant 0 : i32
    %dma_start3A_17 = arith.constant 0 : i32
    %dma_start3A_18 = arith.constant 0 : i32
    %dma_start3A_19 = tpu.memref_slice %arg13[%dma_start3A_17, %dma_start3A_18] : memref<512x32xf32, #tpu.memory_space<vmem>> -> memref<128x32xf32, #tpu.memory_space<vmem>>
    %dma_start3A_20 = arith.constant 0 : i32
    %dma_start3A_21 = tpu.memref_slice %arg11[%dma_start3A_16, %dma_start3A_20] : memref<4x128xi32, #tpu.memory_space<vmem>> -> memref<1x128xi32, #tpu.memory_space<vmem>>
    %dma_start3A_22 = tpu.memref_squeeze %dma_start3A_21 : memref<1x128xi32, #tpu.memory_space<vmem>> -> memref<128xi32, #tpu.memory_space<vmem>>
    %dma_start3A_23 = arith.constant 0 : i32
    %dma_start3A_24 = arith.constant 0 : i32
    %dma_start3A_25 = tpu.memref_slice %arg5[%dma_start3A_23, %dma_start3A_24] : memref<1000001x32xf32, #tpu.memory_space<hbm>> -> memref<1000001x32xf32, #tpu.memory_space<hbm>>
    tpu.enqueue_indirect_dma source(%dma_start3A_25 : memref<1000001x32xf32, #tpu.memory_space<hbm>>) target(%dma_start3A_19 : memref<128x32xf32, #tpu.memory_space<vmem>>) offsets(%dma_start3A_22 : memref<128xi32, #tpu.memory_space<vmem>>) semaphore(%arg18 : memref<!tpu.dma_semaphore, #tpu.memory_space<semaphore_mem>>)
    %dma_start3A_26 = arith.constant 0 : i32
    %dma_start3A_27 = arith.constant 0 : i32
    %dma_start3A_28 = arith.constant 0 : i32
    %dma_start3A_29 = tpu.memref_slice %arg14[%dma_start3A_28] : memref<512xf32, #tpu.memory_space<vmem>> -> memref<128xf32, #tpu.memory_space<vmem>>
    %dma_start3A_30 = arith.constant 0 : i32
    %dma_start3A_31 = tpu.memref_slice %arg10[%dma_start3A_27, %dma_start3A_30] : memref<4x128xi32, #tpu.memory_space<vmem>> -> memref<1x128xi32, #tpu.memory_space<vmem>>
    %dma_start3A_32 = tpu.memref_squeeze %dma_start3A_31 : memref<1x128xi32, #tpu.memory_space<vmem>> -> memref<128xi32, #tpu.memory_space<vmem>>
    %dma_start3A_33 = arith.constant 0 : i32
    %dma_start3A_34 = tpu.memref_slice %arg6[%dma_start3A_26, %dma_start3A_33] : memref<1x1000001xf32, #tpu.memory_space<hbm>> -> memref<1x1000001xf32, #tpu.memory_space<hbm>>
    %dma_start3A_35 = tpu.memref_squeeze %dma_start3A_34 : memref<1x1000001xf32, #tpu.memory_space<hbm>> -> memref<1000001xf32, #tpu.memory_space<hbm>>
    %dma_start3A_36 = arith.constant 0 : i32
    %dma_start3A_37 = tpu.memref_slice %dma_start3A_35[%dma_start3A_36] : memref<1000001xf32, #tpu.memory_space<hbm>> -> memref<1000001xf32, #tpu.memory_space<hbm>>
    tpu.enqueue_indirect_dma source(%dma_start3A_37 : memref<1000001xf32, #tpu.memory_space<hbm>>) target(%dma_start3A_29 : memref<128xf32, #tpu.memory_space<vmem>>) offsets(%dma_start3A_32 : memref<128xi32, #tpu.memory_space<vmem>>) semaphore(%arg18 : memref<!tpu.dma_semaphore, #tpu.memory_space<semaphore_mem>>)
    %dma_start3A_38 = arith.constant 0 : i32
    %dma_start3A_39 = arith.constant 0 : i32
    %dma_start3A_40 = arith.constant 0 : i32
    %dma_start3A_41 = tpu.memref_slice %arg15[%dma_start3A_40] : memref<512xf32, #tpu.memory_space<vmem>> -> memref<128xf32, #tpu.memory_space<vmem>>
    %dma_start3A_42 = arith.constant 0 : i32
    %dma_start3A_43 = tpu.memref_slice %arg11[%dma_start3A_39, %dma_start3A_42] : memref<4x128xi32, #tpu.memory_space<vmem>> -> memref<1x128xi32, #tpu.memory_space<vmem>>
    %dma_start3A_44 = tpu.memref_squeeze %dma_start3A_43 : memref<1x128xi32, #tpu.memory_space<vmem>> -> memref<128xi32, #tpu.memory_space<vmem>>
    %dma_start3A_45 = arith.constant 0 : i32
    %dma_start3A_46 = tpu.memref_slice %arg7[%dma_start3A_38, %dma_start3A_45] : memref<1x1000001xf32, #tpu.memory_space<hbm>> -> memref<1x1000001xf32, #tpu.memory_space<hbm>>
    %dma_start3A_47 = tpu.memref_squeeze %dma_start3A_46 : memref<1x1000001xf32, #tpu.memory_space<hbm>> -> memref<1000001xf32, #tpu.memory_space<hbm>>
    %dma_start3A_48 = arith.constant 0 : i32
    %dma_start3A_49 = tpu.memref_slice %dma_start3A_47[%dma_start3A_48] : memref<1000001xf32, #tpu.memory_space<hbm>> -> memref<1000001xf32, #tpu.memory_space<hbm>>
    tpu.enqueue_indirect_dma source(%dma_start3A_49 : memref<1000001xf32, #tpu.memory_space<hbm>>) target(%dma_start3A_41 : memref<128xf32, #tpu.memory_space<vmem>>) offsets(%dma_start3A_44 : memref<128xi32, #tpu.memory_space<vmem>>) semaphore(%arg18 : memref<!tpu.dma_semaphore, #tpu.memory_space<semaphore_mem>>)
    %dma_start3A_50 = arith.constant 1 : i32
    %dma_start3A_51 = arith.constant 128 : i32
    %dma_start3A_52 = arith.constant 0 : i32
    %dma_start3A_53 = tpu.memref_slice %arg12[%dma_start3A_51, %dma_start3A_52] : memref<512x32xf32, #tpu.memory_space<vmem>> -> memref<128x32xf32, #tpu.memory_space<vmem>>
    %dma_start3A_54 = arith.constant 0 : i32
    %dma_start3A_55 = tpu.memref_slice %arg10[%dma_start3A_50, %dma_start3A_54] : memref<4x128xi32, #tpu.memory_space<vmem>> -> memref<1x128xi32, #tpu.memory_space<vmem>>
    %dma_start3A_56 = tpu.memref_squeeze %dma_start3A_55 : memref<1x128xi32, #tpu.memory_space<vmem>> -> memref<128xi32, #tpu.memory_space<vmem>>
    %dma_start3A_57 = arith.constant 0 : i32
    %dma_start3A_58 = arith.constant 0 : i32
    %dma_start3A_59 = tpu.memref_slice %arg4[%dma_start3A_57, %dma_start3A_58] : memref<1000001x32xf32, #tpu.memory_space<hbm>> -> memref<1000001x32xf32, #tpu.memory_space<hbm>>
    tpu.enqueue_indirect_dma source(%dma_start3A_59 : memref<1000001x32xf32, #tpu.memory_space<hbm>>) target(%dma_start3A_53 : memref<128x32xf32, #tpu.memory_space<vmem>>) offsets(%dma_start3A_56 : memref<128xi32, #tpu.memory_space<vmem>>) semaphore(%arg18 : memref<!tpu.dma_semaphore, #tpu.memory_space<semaphore_mem>>)
    %dma_start3A_60 = arith.constant 1 : i32
    %dma_start3A_61 = arith.constant 128 : i32
    %dma_start3A_62 = arith.constant 0 : i32
    %dma_start3A_63 = tpu.memref_slice %arg13[%dma_start3A_61, %dma_start3A_62] : memref<512x32xf32, #tpu.memory_space<vmem>> -> memref<128x32xf32, #tpu.memory_space<vmem>>
    %dma_start3A_64 = arith.constant 0 : i32
    %dma_start3A_65 = tpu.memref_slice %arg11[%dma_start3A_60, %dma_start3A_64] : memref<4x128xi32, #tpu.memory_space<vmem>> -> memref<1x128xi32, #tpu.memory_space<vmem>>
    %dma_start3A_66 = tpu.memref_squeeze %dma_start3A_65 : memref<1x128xi32, #tpu.memory_space<vmem>> -> memref<128xi32, #tpu.memory_space<vmem>>
    %dma_start3A_67 = arith.constant 0 : i32
    %dma_start3A_68 = arith.constant 0 : i32
    %dma_start3A_69 = tpu.memref_slice %arg5[%dma_start3A_67, %dma_start3A_68] : memref<1000001x32xf32, #tpu.memory_space<hbm>> -> memref<1000001x32xf32, #tpu.memory_space<hbm>>
    tpu.enqueue_indirect_dma source(%dma_start3A_69 : memref<1000001x32xf32, #tpu.memory_space<hbm>>) target(%dma_start3A_63 : memref<128x32xf32, #tpu.memory_space<vmem>>) offsets(%dma_start3A_66 : memref<128xi32, #tpu.memory_space<vmem>>) semaphore(%arg18 : memref<!tpu.dma_semaphore, #tpu.memory_space<semaphore_mem>>)
    %dma_start3A_70 = arith.constant 0 : i32
    %dma_start3A_71 = arith.constant 1 : i32
    %dma_start3A_72 = arith.constant 128 : i32
    %dma_start3A_73 = tpu.memref_slice %arg14[%dma_start3A_72] : memref<512xf32, #tpu.memory_space<vmem>> -> memref<128xf32, #tpu.memory_space<vmem>>
    %dma_start3A_74 = arith.constant 0 : i32
    %dma_start3A_75 = tpu.memref_slice %arg10[%dma_start3A_71, %dma_start3A_74] : memref<4x128xi32, #tpu.memory_space<vmem>> -> memref<1x128xi32, #tpu.memory_space<vmem>>
    %dma_start3A_76 = tpu.memref_squeeze %dma_start3A_75 : memref<1x128xi32, #tpu.memory_space<vmem>> -> memref<128xi32, #tpu.memory_space<vmem>>
    %dma_start3A_77 = arith.constant 0 : i32
    %dma_start3A_78 = tpu.memref_slice %arg6[%dma_start3A_70, %dma_start3A_77] : memref<1x1000001xf32, #tpu.memory_space<hbm>> -> memref<1x1000001xf32, #tpu.memory_space<hbm>>
    %dma_start3A_79 = tpu.memref_squeeze %dma_start3A_78 : memref<1x1000001xf32, #tpu.memory_space<hbm>> -> memref<1000001xf32, #tpu.memory_space<hbm>>
    %dma_start3A_80 = arith.constant 0 : i32
    %dma_start3A_81 = tpu.memref_slice %dma_start3A_79[%dma_start3A_80] : memref<1000001xf32, #tpu.memory_space<hbm>> -> memref<1000001xf32, #tpu.memory_space<hbm>>
    tpu.enqueue_indirect_dma source(%dma_start3A_81 : memref<1000001xf32, #tpu.memory_space<hbm>>) target(%dma_start3A_73 : memref<128xf32, #tpu.memory_space<vmem>>) offsets(%dma_start3A_76 : memref<128xi32, #tpu.memory_space<vmem>>) semaphore(%arg18 : memref<!tpu.dma_semaphore, #tpu.memory_space<semaphore_mem>>)
    %dma_start3A_82 = arith.constant 0 : i32
    %dma_start3A_83 = arith.constant 1 : i32
    %dma_start3A_84 = arith.constant 128 : i32
    %dma_start3A_85 = tpu.memref_slice %arg15[%dma_start3A_84] : memref<512xf32, #tpu.memory_space<vmem>> -> memref<128xf32, #tpu.memory_space<vmem>>
    %dma_start3A_86 = arith.constant 0 : i32
    %dma_start3A_87 = tpu.memref_slice %arg11[%dma_start3A_83, %dma_start3A_86] : memref<4x128xi32, #tpu.memory_space<vmem>> -> memref<1x128xi32, #tpu.memory_space<vmem>>
    %dma_start3A_88 = tpu.memref_squeeze %dma_start3A_87 : memref<1x128xi32, #tpu.memory_space<vmem>> -> memref<128xi32, #tpu.memory_space<vmem>>
    %dma_start3A_89 = arith.constant 0 : i32
    %dma_start3A_90 = tpu.memref_slice %arg7[%dma_start3A_82, %dma_start3A_89] : memref<1x1000001xf32, #tpu.memory_space<hbm>> -> memref<1x1000001xf32, #tpu.memory_space<hbm>>
    %dma_start3A_91 = tpu.memref_squeeze %dma_start3A_90 : memref<1x1000001xf32, #tpu.memory_space<hbm>> -> memref<1000001xf32, #tpu.memory_space<hbm>>
    %dma_start3A_92 = arith.constant 0 : i32
    %dma_start3A_93 = tpu.memref_slice %dma_start3A_91[%dma_start3A_92] : memref<1000001xf32, #tpu.memory_space<hbm>> -> memref<1000001xf32, #tpu.memory_space<hbm>>
    tpu.enqueue_indirect_dma source(%dma_start3A_93 : memref<1000001xf32, #tpu.memory_space<hbm>>) target(%dma_start3A_85 : memref<128xf32, #tpu.memory_space<vmem>>) offsets(%dma_start3A_88 : memref<128xi32, #tpu.memory_space<vmem>>) semaphore(%arg18 : memref<!tpu.dma_semaphore, #tpu.memory_space<semaphore_mem>>)
    %dma_start3A_94 = arith.constant 2 : i32
    %dma_start3A_95 = arith.constant 256 : i32
    %dma_start3A_96 = arith.constant 0 : i32
    %dma_start3A_97 = tpu.memref_slice %arg12[%dma_start3A_95, %dma_start3A_96] : memref<512x32xf32, #tpu.memory_space<vmem>> -> memref<128x32xf32, #tpu.memory_space<vmem>>
    %dma_start3A_98 = arith.constant 0 : i32
    %dma_start3A_99 = tpu.memref_slice %arg10[%dma_start3A_94, %dma_start3A_98] : memref<4x128xi32, #tpu.memory_space<vmem>> -> memref<1x128xi32, #tpu.memory_space<vmem>>
    %dma_start3A_100 = tpu.memref_squeeze %dma_start3A_99 : memref<1x128xi32, #tpu.memory_space<vmem>> -> memref<128xi32, #tpu.memory_space<vmem>>
    %dma_start3A_101 = arith.constant 0 : i32
    %dma_start3A_102 = arith.constant 0 : i32
    %dma_start3A_103 = tpu.memref_slice %arg4[%dma_start3A_101, %dma_start3A_102] : memref<1000001x32xf32, #tpu.memory_space<hbm>> -> memref<1000001x32xf32, #tpu.memory_space<hbm>>
    tpu.enqueue_indirect_dma source(%dma_start3A_103 : memref<1000001x32xf32, #tpu.memory_space<hbm>>) target(%dma_start3A_97 : memref<128x32xf32, #tpu.memory_space<vmem>>) offsets(%dma_start3A_100 : memref<128xi32, #tpu.memory_space<vmem>>) semaphore(%arg18 : memref<!tpu.dma_semaphore, #tpu.memory_space<semaphore_mem>>)
    %dma_start3A_104 = arith.constant 2 : i32
    %dma_start3A_105 = arith.constant 256 : i32
    %dma_start3A_106 = arith.constant 0 : i32
    %dma_start3A_107 = tpu.memref_slice %arg13[%dma_start3A_105, %dma_start3A_106] : memref<512x32xf32, #tpu.memory_space<vmem>> -> memref<128x32xf32, #tpu.memory_space<vmem>>
    %dma_start3A_108 = arith.constant 0 : i32
    %dma_start3A_109 = tpu.memref_slice %arg11[%dma_start3A_104, %dma_start3A_108] : memref<4x128xi32, #tpu.memory_space<vmem>> -> memref<1x128xi32, #tpu.memory_space<vmem>>
    %dma_start3A_110 = tpu.memref_squeeze %dma_start3A_109 : memref<1x128xi32, #tpu.memory_space<vmem>> -> memref<128xi32, #tpu.memory_space<vmem>>
    %dma_start3A_111 = arith.constant 0 : i32
    %dma_start3A_112 = arith.constant 0 : i32
    %dma_start3A_113 = tpu.memref_slice %arg5[%dma_start3A_111, %dma_start3A_112] : memref<1000001x32xf32, #tpu.memory_space<hbm>> -> memref<1000001x32xf32, #tpu.memory_space<hbm>>
    tpu.enqueue_indirect_dma source(%dma_start3A_113 : memref<1000001x32xf32, #tpu.memory_space<hbm>>) target(%dma_start3A_107 : memref<128x32xf32, #tpu.memory_space<vmem>>) offsets(%dma_start3A_110 : memref<128xi32, #tpu.memory_space<vmem>>) semaphore(%arg18 : memref<!tpu.dma_semaphore, #tpu.memory_space<semaphore_mem>>)
    %dma_start3A_114 = arith.constant 0 : i32
    %dma_start3A_115 = arith.constant 2 : i32
    %dma_start3A_116 = arith.constant 256 : i32
    %dma_start3A_117 = tpu.memref_slice %arg14[%dma_start3A_116] : memref<512xf32, #tpu.memory_space<vmem>> -> memref<128xf32, #tpu.memory_space<vmem>>
    %dma_start3A_118 = arith.constant 0 : i32
    %dma_start3A_119 = tpu.memref_slice %arg10[%dma_start3A_115, %dma_start3A_118] : memref<4x128xi32, #tpu.memory_space<vmem>> -> memref<1x128xi32, #tpu.memory_space<vmem>>
    %dma_start3A_120 = tpu.memref_squeeze %dma_start3A_119 : memref<1x128xi32, #tpu.memory_space<vmem>> -> memref<128xi32, #tpu.memory_space<vmem>>
    %dma_start3A_121 = arith.constant 0 : i32
    %dma_start3A_122 = tpu.memref_slice %arg6[%dma_start3A_114, %dma_start3A_121] : memref<1x1000001xf32, #tpu.memory_space<hbm>> -> memref<1x1000001xf32, #tpu.memory_space<hbm>>
    %dma_start3A_123 = tpu.memref_squeeze %dma_start3A_122 : memref<1x1000001xf32, #tpu.memory_space<hbm>> -> memref<1000001xf32, #tpu.memory_space<hbm>>
    %dma_start3A_124 = arith.constant 0 : i32
    %dma_start3A_125 = tpu.memref_slice %dma_start3A_123[%dma_start3A_124] : memref<1000001xf32, #tpu.memory_space<hbm>> -> memref<1000001xf32, #tpu.memory_space<hbm>>
    tpu.enqueue_indirect_dma source(%dma_start3A_125 : memref<1000001xf32, #tpu.memory_space<hbm>>) target(%dma_start3A_117 : memref<128xf32, #tpu.memory_space<vmem>>) offsets(%dma_start3A_120 : memref<128xi32, #tpu.memory_space<vmem>>) semaphore(%arg18 : memref<!tpu.dma_semaphore, #tpu.memory_space<semaphore_mem>>)
    %dma_start3A_126 = arith.constant 0 : i32
    %dma_start3A_127 = arith.constant 2 : i32
    %dma_start3A_128 = arith.constant 256 : i32
    %dma_start3A_129 = tpu.memref_slice %arg15[%dma_start3A_128] : memref<512xf32, #tpu.memory_space<vmem>> -> memref<128xf32, #tpu.memory_space<vmem>>
    %dma_start3A_130 = arith.constant 0 : i32
    %dma_start3A_131 = tpu.memref_slice %arg11[%dma_start3A_127, %dma_start3A_130] : memref<4x128xi32, #tpu.memory_space<vmem>> -> memref<1x128xi32, #tpu.memory_space<vmem>>
    %dma_start3A_132 = tpu.memref_squeeze %dma_start3A_131 : memref<1x128xi32, #tpu.memory_space<vmem>> -> memref<128xi32, #tpu.memory_space<vmem>>
    %dma_start3A_133 = arith.constant 0 : i32
    %dma_start3A_134 = tpu.memref_slice %arg7[%dma_start3A_126, %dma_start3A_133] : memref<1x1000001xf32, #tpu.memory_space<hbm>> -> memref<1x1000001xf32, #tpu.memory_space<hbm>>
    %dma_start3A_135 = tpu.memref_squeeze %dma_start3A_134 : memref<1x1000001xf32, #tpu.memory_space<hbm>> -> memref<1000001xf32, #tpu.memory_space<hbm>>
    %dma_start3A_136 = arith.constant 0 : i32
    %dma_start3A_137 = tpu.memref_slice %dma_start3A_135[%dma_start3A_136] : memref<1000001xf32, #tpu.memory_space<hbm>> -> memref<1000001xf32, #tpu.memory_space<hbm>>
    tpu.enqueue_indirect_dma source(%dma_start3A_137 : memref<1000001xf32, #tpu.memory_space<hbm>>) target(%dma_start3A_129 : memref<128xf32, #tpu.memory_space<vmem>>) offsets(%dma_start3A_132 : memref<128xi32, #tpu.memory_space<vmem>>) semaphore(%arg18 : memref<!tpu.dma_semaphore, #tpu.memory_space<semaphore_mem>>)
    %dma_start3A_138 = arith.constant 3 : i32
    %dma_start3A_139 = arith.constant 384 : i32
    %dma_start3A_140 = arith.constant 0 : i32
    %dma_start3A_141 = tpu.memref_slice %arg12[%dma_start3A_139, %dma_start3A_140] : memref<512x32xf32, #tpu.memory_space<vmem>> -> memref<128x32xf32, #tpu.memory_space<vmem>>
    %dma_start3A_142 = arith.constant 0 : i32
    %dma_start3A_143 = tpu.memref_slice %arg10[%dma_start3A_138, %dma_start3A_142] : memref<4x128xi32, #tpu.memory_space<vmem>> -> memref<1x128xi32, #tpu.memory_space<vmem>>
    %dma_start3A_144 = tpu.memref_squeeze %dma_start3A_143 : memref<1x128xi32, #tpu.memory_space<vmem>> -> memref<128xi32, #tpu.memory_space<vmem>>
    %dma_start3A_145 = arith.constant 0 : i32
    %dma_start3A_146 = arith.constant 0 : i32
    %dma_start3A_147 = tpu.memref_slice %arg4[%dma_start3A_145, %dma_start3A_146] : memref<1000001x32xf32, #tpu.memory_space<hbm>> -> memref<1000001x32xf32, #tpu.memory_space<hbm>>
    tpu.enqueue_indirect_dma source(%dma_start3A_147 : memref<1000001x32xf32, #tpu.memory_space<hbm>>) target(%dma_start3A_141 : memref<128x32xf32, #tpu.memory_space<vmem>>) offsets(%dma_start3A_144 : memref<128xi32, #tpu.memory_space<vmem>>) semaphore(%arg18 : memref<!tpu.dma_semaphore, #tpu.memory_space<semaphore_mem>>)
    %dma_start3A_148 = arith.constant 3 : i32
    %dma_start3A_149 = arith.constant 384 : i32
    %dma_start3A_150 = arith.constant 0 : i32
    %dma_start3A_151 = tpu.memref_slice %arg13[%dma_start3A_149, %dma_start3A_150] : memref<512x32xf32, #tpu.memory_space<vmem>> -> memref<128x32xf32, #tpu.memory_space<vmem>>
    %dma_start3A_152 = arith.constant 0 : i32
    %dma_start3A_153 = tpu.memref_slice %arg11[%dma_start3A_148, %dma_start3A_152] : memref<4x128xi32, #tpu.memory_space<vmem>> -> memref<1x128xi32, #tpu.memory_space<vmem>>
    %dma_start3A_154 = tpu.memref_squeeze %dma_start3A_153 : memref<1x128xi32, #tpu.memory_space<vmem>> -> memref<128xi32, #tpu.memory_space<vmem>>
    %dma_start3A_155 = arith.constant 0 : i32
    %dma_start3A_156 = arith.constant 0 : i32
    %dma_start3A_157 = tpu.memref_slice %arg5[%dma_start3A_155, %dma_start3A_156] : memref<1000001x32xf32, #tpu.memory_space<hbm>> -> memref<1000001x32xf32, #tpu.memory_space<hbm>>
    tpu.enqueue_indirect_dma source(%dma_start3A_157 : memref<1000001x32xf32, #tpu.memory_space<hbm>>) target(%dma_start3A_151 : memref<128x32xf32, #tpu.memory_space<vmem>>) offsets(%dma_start3A_154 : memref<128xi32, #tpu.memory_space<vmem>>) semaphore(%arg18 : memref<!tpu.dma_semaphore, #tpu.memory_space<semaphore_mem>>)
    %dma_start3A_158 = arith.constant 0 : i32
    %dma_start3A_159 = arith.constant 3 : i32
    %dma_start3A_160 = arith.constant 384 : i32
    %dma_start3A_161 = tpu.memref_slice %arg14[%dma_start3A_160] : memref<512xf32, #tpu.memory_space<vmem>> -> memref<128xf32, #tpu.memory_space<vmem>>
    %dma_start3A_162 = arith.constant 0 : i32
    %dma_start3A_163 = tpu.memref_slice %arg10[%dma_start3A_159, %dma_start3A_162] : memref<4x128xi32, #tpu.memory_space<vmem>> -> memref<1x128xi32, #tpu.memory_space<vmem>>
    %dma_start3A_164 = tpu.memref_squeeze %dma_start3A_163 : memref<1x128xi32, #tpu.memory_space<vmem>> -> memref<128xi32, #tpu.memory_space<vmem>>
    %dma_start3A_165 = arith.constant 0 : i32
    %dma_start3A_166 = tpu.memref_slice %arg6[%dma_start3A_158, %dma_start3A_165] : memref<1x1000001xf32, #tpu.memory_space<hbm>> -> memref<1x1000001xf32, #tpu.memory_space<hbm>>
    %dma_start3A_167 = tpu.memref_squeeze %dma_start3A_166 : memref<1x1000001xf32, #tpu.memory_space<hbm>> -> memref<1000001xf32, #tpu.memory_space<hbm>>
    %dma_start3A_168 = arith.constant 0 : i32
    %dma_start3A_169 = tpu.memref_slice %dma_start3A_167[%dma_start3A_168] : memref<1000001xf32, #tpu.memory_space<hbm>> -> memref<1000001xf32, #tpu.memory_space<hbm>>
    tpu.enqueue_indirect_dma source(%dma_start3A_169 : memref<1000001xf32, #tpu.memory_space<hbm>>) target(%dma_start3A_161 : memref<128xf32, #tpu.memory_space<vmem>>) offsets(%dma_start3A_164 : memref<128xi32, #tpu.memory_space<vmem>>) semaphore(%arg18 : memref<!tpu.dma_semaphore, #tpu.memory_space<semaphore_mem>>)
    %dma_start3A_170 = arith.constant 0 : i32
    %dma_start3A_171 = arith.constant 3 : i32
    %dma_start3A_172 = arith.constant 384 : i32
    %dma_start3A_173 = tpu.memref_slice %arg15[%dma_start3A_172] : memref<512xf32, #tpu.memory_space<vmem>> -> memref<128xf32, #tpu.memory_space<vmem>>
    %dma_start3A_174 = arith.constant 0 : i32
    %dma_start3A_175 = tpu.memref_slice %arg11[%dma_start3A_171, %dma_start3A_174] : memref<4x128xi32, #tpu.memory_space<vmem>> -> memref<1x128xi32, #tpu.memory_space<vmem>>
    %dma_start3A_176 = tpu.memref_squeeze %dma_start3A_175 : memref<1x128xi32, #tpu.memory_space<vmem>> -> memref<128xi32, #tpu.memory_space<vmem>>
    %dma_start3A_177 = arith.constant 0 : i32
    %dma_start3A_178 = tpu.memref_slice %arg7[%dma_start3A_170, %dma_start3A_177] : memref<1x1000001xf32, #tpu.memory_space<hbm>> -> memref<1x1000001xf32, #tpu.memory_space<hbm>>
    %dma_start3A_179 = tpu.memref_squeeze %dma_start3A_178 : memref<1x1000001xf32, #tpu.memory_space<hbm>> -> memref<1000001xf32, #tpu.memory_space<hbm>>
    %dma_start3A_180 = arith.constant 0 : i32
    %dma_start3A_181 = tpu.memref_slice %dma_start3A_179[%dma_start3A_180] : memref<1000001xf32, #tpu.memory_space<hbm>> -> memref<1000001xf32, #tpu.memory_space<hbm>>
    tpu.enqueue_indirect_dma source(%dma_start3A_181 : memref<1000001xf32, #tpu.memory_space<hbm>>) target(%dma_start3A_173 : memref<128xf32, #tpu.memory_space<vmem>>) offsets(%dma_start3A_176 : memref<128xi32, #tpu.memory_space<vmem>>) semaphore(%arg18 : memref<!tpu.dma_semaphore, #tpu.memory_space<semaphore_mem>>)
    %dma_wait3A = arith.constant 0 : i32
    %dma_wait3A_182 = arith.constant 0 : i32
    %dma_wait3A_183 = arith.constant 0 : i32
    %dma_wait3A_184 = tpu.memref_slice %arg12[%dma_wait3A_182, %dma_wait3A_183] : memref<512x32xf32, #tpu.memory_space<vmem>> -> memref<128x32xf32, #tpu.memory_space<vmem>>
    %dma_wait3A_185 = arith.constant 0 : i32
    %dma_wait3A_186 = tpu.memref_slice %arg10[%dma_wait3A, %dma_wait3A_185] : memref<4x128xi32, #tpu.memory_space<vmem>> -> memref<1x128xi32, #tpu.memory_space<vmem>>
    %dma_wait3A_187 = tpu.memref_squeeze %dma_wait3A_186 : memref<1x128xi32, #tpu.memory_space<vmem>> -> memref<128xi32, #tpu.memory_space<vmem>>
    %dma_wait3A_188 = arith.constant 0 : i32
    %dma_wait3A_189 = arith.constant 0 : i32
    %dma_wait3A_190 = tpu.memref_slice %arg4[%dma_wait3A_188, %dma_wait3A_189] : memref<1000001x32xf32, #tpu.memory_space<hbm>> -> memref<1000001x32xf32, #tpu.memory_space<hbm>>
    tpu.wait_indirect_dma semaphore(%arg18 : memref<!tpu.dma_semaphore, #tpu.memory_space<semaphore_mem>>) src(%dma_wait3A_190 : memref<1000001x32xf32, #tpu.memory_space<hbm>>) dst(%dma_wait3A_184 : memref<128x32xf32, #tpu.memory_space<vmem>>)
    %dma_wait3A_191 = arith.constant 0 : i32
    %dma_wait3A_192 = arith.constant 0 : i32
    %dma_wait3A_193 = arith.constant 0 : i32
    %dma_wait3A_194 = tpu.memref_slice %arg13[%dma_wait3A_192, %dma_wait3A_193] : memref<512x32xf32, #tpu.memory_space<vmem>> -> memref<128x32xf32, #tpu.memory_space<vmem>>
    %dma_wait3A_195 = arith.constant 0 : i32
    %dma_wait3A_196 = tpu.memref_slice %arg11[%dma_wait3A_191, %dma_wait3A_195] : memref<4x128xi32, #tpu.memory_space<vmem>> -> memref<1x128xi32, #tpu.memory_space<vmem>>
    %dma_wait3A_197 = tpu.memref_squeeze %dma_wait3A_196 : memref<1x128xi32, #tpu.memory_space<vmem>> -> memref<128xi32, #tpu.memory_space<vmem>>
    %dma_wait3A_198 = arith.constant 0 : i32
    %dma_wait3A_199 = arith.constant 0 : i32
    %dma_wait3A_200 = tpu.memref_slice %arg5[%dma_wait3A_198, %dma_wait3A_199] : memref<1000001x32xf32, #tpu.memory_space<hbm>> -> memref<1000001x32xf32, #tpu.memory_space<hbm>>
    tpu.wait_indirect_dma semaphore(%arg18 : memref<!tpu.dma_semaphore, #tpu.memory_space<semaphore_mem>>) src(%dma_wait3A_200 : memref<1000001x32xf32, #tpu.memory_space<hbm>>) dst(%dma_wait3A_194 : memref<128x32xf32, #tpu.memory_space<vmem>>)
    %dma_wait3A_201 = arith.constant 0 : i32
    %dma_wait3A_202 = arith.constant 0 : i32
    %dma_wait3A_203 = arith.constant 0 : i32
    %dma_wait3A_204 = tpu.memref_slice %arg14[%dma_wait3A_203] : memref<512xf32, #tpu.memory_space<vmem>> -> memref<128xf32, #tpu.memory_space<vmem>>
    %dma_wait3A_205 = arith.constant 0 : i32
    %dma_wait3A_206 = tpu.memref_slice %arg10[%dma_wait3A_202, %dma_wait3A_205] : memref<4x128xi32, #tpu.memory_space<vmem>> -> memref<1x128xi32, #tpu.memory_space<vmem>>
    %dma_wait3A_207 = tpu.memref_squeeze %dma_wait3A_206 : memref<1x128xi32, #tpu.memory_space<vmem>> -> memref<128xi32, #tpu.memory_space<vmem>>
    %dma_wait3A_208 = arith.constant 0 : i32
    %dma_wait3A_209 = tpu.memref_slice %arg6[%dma_wait3A_201, %dma_wait3A_208] : memref<1x1000001xf32, #tpu.memory_space<hbm>> -> memref<1x1000001xf32, #tpu.memory_space<hbm>>
    %dma_wait3A_210 = tpu.memref_squeeze %dma_wait3A_209 : memref<1x1000001xf32, #tpu.memory_space<hbm>> -> memref<1000001xf32, #tpu.memory_space<hbm>>
    %dma_wait3A_211 = arith.constant 0 : i32
    %dma_wait3A_212 = tpu.memref_slice %dma_wait3A_210[%dma_wait3A_211] : memref<1000001xf32, #tpu.memory_space<hbm>> -> memref<1000001xf32, #tpu.memory_space<hbm>>
    tpu.wait_indirect_dma semaphore(%arg18 : memref<!tpu.dma_semaphore, #tpu.memory_space<semaphore_mem>>) src(%dma_wait3A_212 : memref<1000001xf32, #tpu.memory_space<hbm>>) dst(%dma_wait3A_204 : memref<128xf32, #tpu.memory_space<vmem>>)
    %dma_wait3A_213 = arith.constant 0 : i32
    %dma_wait3A_214 = arith.constant 0 : i32
    %dma_wait3A_215 = arith.constant 0 : i32
    %dma_wait3A_216 = tpu.memref_slice %arg15[%dma_wait3A_215] : memref<512xf32, #tpu.memory_space<vmem>> -> memref<128xf32, #tpu.memory_space<vmem>>
    %dma_wait3A_217 = arith.constant 0 : i32
    %dma_wait3A_218 = tpu.memref_slice %arg11[%dma_wait3A_214, %dma_wait3A_217] : memref<4x128xi32, #tpu.memory_space<vmem>> -> memref<1x128xi32, #tpu.memory_space<vmem>>
    %dma_wait3A_219 = tpu.memref_squeeze %dma_wait3A_218 : memref<1x128xi32, #tpu.memory_space<vmem>> -> memref<128xi32, #tpu.memory_space<vmem>>
    %dma_wait3A_220 = arith.constant 0 : i32
    %dma_wait3A_221 = tpu.memref_slice %arg7[%dma_wait3A_213, %dma_wait3A_220] : memref<1x1000001xf32, #tpu.memory_space<hbm>> -> memref<1x1000001xf32, #tpu.memory_space<hbm>>
    %dma_wait3A_222 = tpu.memref_squeeze %dma_wait3A_221 : memref<1x1000001xf32, #tpu.memory_space<hbm>> -> memref<1000001xf32, #tpu.memory_space<hbm>>
    %dma_wait3A_223 = arith.constant 0 : i32
    %dma_wait3A_224 = tpu.memref_slice %dma_wait3A_222[%dma_wait3A_223] : memref<1000001xf32, #tpu.memory_space<hbm>> -> memref<1000001xf32, #tpu.memory_space<hbm>>
    tpu.wait_indirect_dma semaphore(%arg18 : memref<!tpu.dma_semaphore, #tpu.memory_space<semaphore_mem>>) src(%dma_wait3A_224 : memref<1000001xf32, #tpu.memory_space<hbm>>) dst(%dma_wait3A_216 : memref<128xf32, #tpu.memory_space<vmem>>)
    %dma_wait3A_225 = arith.constant 1 : i32
    %dma_wait3A_226 = arith.constant 128 : i32
    %dma_wait3A_227 = arith.constant 0 : i32
    %dma_wait3A_228 = tpu.memref_slice %arg12[%dma_wait3A_226, %dma_wait3A_227] : memref<512x32xf32, #tpu.memory_space<vmem>> -> memref<128x32xf32, #tpu.memory_space<vmem>>
    %dma_wait3A_229 = arith.constant 0 : i32
    %dma_wait3A_230 = tpu.memref_slice %arg10[%dma_wait3A_225, %dma_wait3A_229] : memref<4x128xi32, #tpu.memory_space<vmem>> -> memref<1x128xi32, #tpu.memory_space<vmem>>
    %dma_wait3A_231 = tpu.memref_squeeze %dma_wait3A_230 : memref<1x128xi32, #tpu.memory_space<vmem>> -> memref<128xi32, #tpu.memory_space<vmem>>
    %dma_wait3A_232 = arith.constant 0 : i32
    %dma_wait3A_233 = arith.constant 0 : i32
    %dma_wait3A_234 = tpu.memref_slice %arg4[%dma_wait3A_232, %dma_wait3A_233] : memref<1000001x32xf32, #tpu.memory_space<hbm>> -> memref<1000001x32xf32, #tpu.memory_space<hbm>>
    tpu.wait_indirect_dma semaphore(%arg18 : memref<!tpu.dma_semaphore, #tpu.memory_space<semaphore_mem>>) src(%dma_wait3A_234 : memref<1000001x32xf32, #tpu.memory_space<hbm>>) dst(%dma_wait3A_228 : memref<128x32xf32, #tpu.memory_space<vmem>>)
    %dma_wait3A_235 = arith.constant 1 : i32
    %dma_wait3A_236 = arith.constant 128 : i32
    %dma_wait3A_237 = arith.constant 0 : i32
    %dma_wait3A_238 = tpu.memref_slice %arg13[%dma_wait3A_236, %dma_wait3A_237] : memref<512x32xf32, #tpu.memory_space<vmem>> -> memref<128x32xf32, #tpu.memory_space<vmem>>
    %dma_wait3A_239 = arith.constant 0 : i32
    %dma_wait3A_240 = tpu.memref_slice %arg11[%dma_wait3A_235, %dma_wait3A_239] : memref<4x128xi32, #tpu.memory_space<vmem>> -> memref<1x128xi32, #tpu.memory_space<vmem>>
    %dma_wait3A_241 = tpu.memref_squeeze %dma_wait3A_240 : memref<1x128xi32, #tpu.memory_space<vmem>> -> memref<128xi32, #tpu.memory_space<vmem>>
    %dma_wait3A_242 = arith.constant 0 : i32
    %dma_wait3A_243 = arith.constant 0 : i32
    %dma_wait3A_244 = tpu.memref_slice %arg5[%dma_wait3A_242, %dma_wait3A_243] : memref<1000001x32xf32, #tpu.memory_space<hbm>> -> memref<1000001x32xf32, #tpu.memory_space<hbm>>
    tpu.wait_indirect_dma semaphore(%arg18 : memref<!tpu.dma_semaphore, #tpu.memory_space<semaphore_mem>>) src(%dma_wait3A_244 : memref<1000001x32xf32, #tpu.memory_space<hbm>>) dst(%dma_wait3A_238 : memref<128x32xf32, #tpu.memory_space<vmem>>)
    %dma_wait3A_245 = arith.constant 0 : i32
    %dma_wait3A_246 = arith.constant 1 : i32
    %dma_wait3A_247 = arith.constant 128 : i32
    %dma_wait3A_248 = tpu.memref_slice %arg14[%dma_wait3A_247] : memref<512xf32, #tpu.memory_space<vmem>> -> memref<128xf32, #tpu.memory_space<vmem>>
    %dma_wait3A_249 = arith.constant 0 : i32
    %dma_wait3A_250 = tpu.memref_slice %arg10[%dma_wait3A_246, %dma_wait3A_249] : memref<4x128xi32, #tpu.memory_space<vmem>> -> memref<1x128xi32, #tpu.memory_space<vmem>>
    %dma_wait3A_251 = tpu.memref_squeeze %dma_wait3A_250 : memref<1x128xi32, #tpu.memory_space<vmem>> -> memref<128xi32, #tpu.memory_space<vmem>>
    %dma_wait3A_252 = arith.constant 0 : i32
    %dma_wait3A_253 = tpu.memref_slice %arg6[%dma_wait3A_245, %dma_wait3A_252] : memref<1x1000001xf32, #tpu.memory_space<hbm>> -> memref<1x1000001xf32, #tpu.memory_space<hbm>>
    %dma_wait3A_254 = tpu.memref_squeeze %dma_wait3A_253 : memref<1x1000001xf32, #tpu.memory_space<hbm>> -> memref<1000001xf32, #tpu.memory_space<hbm>>
    %dma_wait3A_255 = arith.constant 0 : i32
    %dma_wait3A_256 = tpu.memref_slice %dma_wait3A_254[%dma_wait3A_255] : memref<1000001xf32, #tpu.memory_space<hbm>> -> memref<1000001xf32, #tpu.memory_space<hbm>>
    tpu.wait_indirect_dma semaphore(%arg18 : memref<!tpu.dma_semaphore, #tpu.memory_space<semaphore_mem>>) src(%dma_wait3A_256 : memref<1000001xf32, #tpu.memory_space<hbm>>) dst(%dma_wait3A_248 : memref<128xf32, #tpu.memory_space<vmem>>)
    %dma_wait3A_257 = arith.constant 0 : i32
    %dma_wait3A_258 = arith.constant 1 : i32
    %dma_wait3A_259 = arith.constant 128 : i32
    %dma_wait3A_260 = tpu.memref_slice %arg15[%dma_wait3A_259] : memref<512xf32, #tpu.memory_space<vmem>> -> memref<128xf32, #tpu.memory_space<vmem>>
    %dma_wait3A_261 = arith.constant 0 : i32
    %dma_wait3A_262 = tpu.memref_slice %arg11[%dma_wait3A_258, %dma_wait3A_261] : memref<4x128xi32, #tpu.memory_space<vmem>> -> memref<1x128xi32, #tpu.memory_space<vmem>>
    %dma_wait3A_263 = tpu.memref_squeeze %dma_wait3A_262 : memref<1x128xi32, #tpu.memory_space<vmem>> -> memref<128xi32, #tpu.memory_space<vmem>>
    %dma_wait3A_264 = arith.constant 0 : i32
    %dma_wait3A_265 = tpu.memref_slice %arg7[%dma_wait3A_257, %dma_wait3A_264] : memref<1x1000001xf32, #tpu.memory_space<hbm>> -> memref<1x1000001xf32, #tpu.memory_space<hbm>>
    %dma_wait3A_266 = tpu.memref_squeeze %dma_wait3A_265 : memref<1x1000001xf32, #tpu.memory_space<hbm>> -> memref<1000001xf32, #tpu.memory_space<hbm>>
    %dma_wait3A_267 = arith.constant 0 : i32
    %dma_wait3A_268 = tpu.memref_slice %dma_wait3A_266[%dma_wait3A_267] : memref<1000001xf32, #tpu.memory_space<hbm>> -> memref<1000001xf32, #tpu.memory_space<hbm>>
    tpu.wait_indirect_dma semaphore(%arg18 : memref<!tpu.dma_semaphore, #tpu.memory_space<semaphore_mem>>) src(%dma_wait3A_268 : memref<1000001xf32, #tpu.memory_space<hbm>>) dst(%dma_wait3A_260 : memref<128xf32, #tpu.memory_space<vmem>>)
    %dma_wait3A_269 = arith.constant 2 : i32
    %dma_wait3A_270 = arith.constant 256 : i32
    %dma_wait3A_271 = arith.constant 0 : i32
    %dma_wait3A_272 = tpu.memref_slice %arg12[%dma_wait3A_270, %dma_wait3A_271] : memref<512x32xf32, #tpu.memory_space<vmem>> -> memref<128x32xf32, #tpu.memory_space<vmem>>
    %dma_wait3A_273 = arith.constant 0 : i32
    %dma_wait3A_274 = tpu.memref_slice %arg10[%dma_wait3A_269, %dma_wait3A_273] : memref<4x128xi32, #tpu.memory_space<vmem>> -> memref<1x128xi32, #tpu.memory_space<vmem>>
    %dma_wait3A_275 = tpu.memref_squeeze %dma_wait3A_274 : memref<1x128xi32, #tpu.memory_space<vmem>> -> memref<128xi32, #tpu.memory_space<vmem>>
    %dma_wait3A_276 = arith.constant 0 : i32
    %dma_wait3A_277 = arith.constant 0 : i32
    %dma_wait3A_278 = tpu.memref_slice %arg4[%dma_wait3A_276, %dma_wait3A_277] : memref<1000001x32xf32, #tpu.memory_space<hbm>> -> memref<1000001x32xf32, #tpu.memory_space<hbm>>
    tpu.wait_indirect_dma semaphore(%arg18 : memref<!tpu.dma_semaphore, #tpu.memory_space<semaphore_mem>>) src(%dma_wait3A_278 : memref<1000001x32xf32, #tpu.memory_space<hbm>>) dst(%dma_wait3A_272 : memref<128x32xf32, #tpu.memory_space<vmem>>)
    %dma_wait3A_279 = arith.constant 2 : i32
    %dma_wait3A_280 = arith.constant 256 : i32
    %dma_wait3A_281 = arith.constant 0 : i32
    %dma_wait3A_282 = tpu.memref_slice %arg13[%dma_wait3A_280, %dma_wait3A_281] : memref<512x32xf32, #tpu.memory_space<vmem>> -> memref<128x32xf32, #tpu.memory_space<vmem>>
    %dma_wait3A_283 = arith.constant 0 : i32
    %dma_wait3A_284 = tpu.memref_slice %arg11[%dma_wait3A_279, %dma_wait3A_283] : memref<4x128xi32, #tpu.memory_space<vmem>> -> memref<1x128xi32, #tpu.memory_space<vmem>>
    %dma_wait3A_285 = tpu.memref_squeeze %dma_wait3A_284 : memref<1x128xi32, #tpu.memory_space<vmem>> -> memref<128xi32, #tpu.memory_space<vmem>>
    %dma_wait3A_286 = arith.constant 0 : i32
    %dma_wait3A_287 = arith.constant 0 : i32
    %dma_wait3A_288 = tpu.memref_slice %arg5[%dma_wait3A_286, %dma_wait3A_287] : memref<1000001x32xf32, #tpu.memory_space<hbm>> -> memref<1000001x32xf32, #tpu.memory_space<hbm>>
    tpu.wait_indirect_dma semaphore(%arg18 : memref<!tpu.dma_semaphore, #tpu.memory_space<semaphore_mem>>) src(%dma_wait3A_288 : memref<1000001x32xf32, #tpu.memory_space<hbm>>) dst(%dma_wait3A_282 : memref<128x32xf32, #tpu.memory_space<vmem>>)
    %dma_wait3A_289 = arith.constant 0 : i32
    %dma_wait3A_290 = arith.constant 2 : i32
    %dma_wait3A_291 = arith.constant 256 : i32
    %dma_wait3A_292 = tpu.memref_slice %arg14[%dma_wait3A_291] : memref<512xf32, #tpu.memory_space<vmem>> -> memref<128xf32, #tpu.memory_space<vmem>>
    %dma_wait3A_293 = arith.constant 0 : i32
    %dma_wait3A_294 = tpu.memref_slice %arg10[%dma_wait3A_290, %dma_wait3A_293] : memref<4x128xi32, #tpu.memory_space<vmem>> -> memref<1x128xi32, #tpu.memory_space<vmem>>
    %dma_wait3A_295 = tpu.memref_squeeze %dma_wait3A_294 : memref<1x128xi32, #tpu.memory_space<vmem>> -> memref<128xi32, #tpu.memory_space<vmem>>
    %dma_wait3A_296 = arith.constant 0 : i32
    %dma_wait3A_297 = tpu.memref_slice %arg6[%dma_wait3A_289, %dma_wait3A_296] : memref<1x1000001xf32, #tpu.memory_space<hbm>> -> memref<1x1000001xf32, #tpu.memory_space<hbm>>
    %dma_wait3A_298 = tpu.memref_squeeze %dma_wait3A_297 : memref<1x1000001xf32, #tpu.memory_space<hbm>> -> memref<1000001xf32, #tpu.memory_space<hbm>>
    %dma_wait3A_299 = arith.constant 0 : i32
    %dma_wait3A_300 = tpu.memref_slice %dma_wait3A_298[%dma_wait3A_299] : memref<1000001xf32, #tpu.memory_space<hbm>> -> memref<1000001xf32, #tpu.memory_space<hbm>>
    tpu.wait_indirect_dma semaphore(%arg18 : memref<!tpu.dma_semaphore, #tpu.memory_space<semaphore_mem>>) src(%dma_wait3A_300 : memref<1000001xf32, #tpu.memory_space<hbm>>) dst(%dma_wait3A_292 : memref<128xf32, #tpu.memory_space<vmem>>)
    %dma_wait3A_301 = arith.constant 0 : i32
    %dma_wait3A_302 = arith.constant 2 : i32
    %dma_wait3A_303 = arith.constant 256 : i32
    %dma_wait3A_304 = tpu.memref_slice %arg15[%dma_wait3A_303] : memref<512xf32, #tpu.memory_space<vmem>> -> memref<128xf32, #tpu.memory_space<vmem>>
    %dma_wait3A_305 = arith.constant 0 : i32
    %dma_wait3A_306 = tpu.memref_slice %arg11[%dma_wait3A_302, %dma_wait3A_305] : memref<4x128xi32, #tpu.memory_space<vmem>> -> memref<1x128xi32, #tpu.memory_space<vmem>>
    %dma_wait3A_307 = tpu.memref_squeeze %dma_wait3A_306 : memref<1x128xi32, #tpu.memory_space<vmem>> -> memref<128xi32, #tpu.memory_space<vmem>>
    %dma_wait3A_308 = arith.constant 0 : i32
    %dma_wait3A_309 = tpu.memref_slice %arg7[%dma_wait3A_301, %dma_wait3A_308] : memref<1x1000001xf32, #tpu.memory_space<hbm>> -> memref<1x1000001xf32, #tpu.memory_space<hbm>>
    %dma_wait3A_310 = tpu.memref_squeeze %dma_wait3A_309 : memref<1x1000001xf32, #tpu.memory_space<hbm>> -> memref<1000001xf32, #tpu.memory_space<hbm>>
    %dma_wait3A_311 = arith.constant 0 : i32
    %dma_wait3A_312 = tpu.memref_slice %dma_wait3A_310[%dma_wait3A_311] : memref<1000001xf32, #tpu.memory_space<hbm>> -> memref<1000001xf32, #tpu.memory_space<hbm>>
    tpu.wait_indirect_dma semaphore(%arg18 : memref<!tpu.dma_semaphore, #tpu.memory_space<semaphore_mem>>) src(%dma_wait3A_312 : memref<1000001xf32, #tpu.memory_space<hbm>>) dst(%dma_wait3A_304 : memref<128xf32, #tpu.memory_space<vmem>>)
    %dma_wait3A_313 = arith.constant 3 : i32
    %dma_wait3A_314 = arith.constant 384 : i32
    %dma_wait3A_315 = arith.constant 0 : i32
    %dma_wait3A_316 = tpu.memref_slice %arg12[%dma_wait3A_314, %dma_wait3A_315] : memref<512x32xf32, #tpu.memory_space<vmem>> -> memref<128x32xf32, #tpu.memory_space<vmem>>
    %dma_wait3A_317 = arith.constant 0 : i32
    %dma_wait3A_318 = tpu.memref_slice %arg10[%dma_wait3A_313, %dma_wait3A_317] : memref<4x128xi32, #tpu.memory_space<vmem>> -> memref<1x128xi32, #tpu.memory_space<vmem>>
    %dma_wait3A_319 = tpu.memref_squeeze %dma_wait3A_318 : memref<1x128xi32, #tpu.memory_space<vmem>> -> memref<128xi32, #tpu.memory_space<vmem>>
    %dma_wait3A_320 = arith.constant 0 : i32
    %dma_wait3A_321 = arith.constant 0 : i32
    %dma_wait3A_322 = tpu.memref_slice %arg4[%dma_wait3A_320, %dma_wait3A_321] : memref<1000001x32xf32, #tpu.memory_space<hbm>> -> memref<1000001x32xf32, #tpu.memory_space<hbm>>
    tpu.wait_indirect_dma semaphore(%arg18 : memref<!tpu.dma_semaphore, #tpu.memory_space<semaphore_mem>>) src(%dma_wait3A_322 : memref<1000001x32xf32, #tpu.memory_space<hbm>>) dst(%dma_wait3A_316 : memref<128x32xf32, #tpu.memory_space<vmem>>)
    %dma_wait3A_323 = arith.constant 3 : i32
    %dma_wait3A_324 = arith.constant 384 : i32
    %dma_wait3A_325 = arith.constant 0 : i32
    %dma_wait3A_326 = tpu.memref_slice %arg13[%dma_wait3A_324, %dma_wait3A_325] : memref<512x32xf32, #tpu.memory_space<vmem>> -> memref<128x32xf32, #tpu.memory_space<vmem>>
    %dma_wait3A_327 = arith.constant 0 : i32
    %dma_wait3A_328 = tpu.memref_slice %arg11[%dma_wait3A_323, %dma_wait3A_327] : memref<4x128xi32, #tpu.memory_space<vmem>> -> memref<1x128xi32, #tpu.memory_space<vmem>>
    %dma_wait3A_329 = tpu.memref_squeeze %dma_wait3A_328 : memref<1x128xi32, #tpu.memory_space<vmem>> -> memref<128xi32, #tpu.memory_space<vmem>>
    %dma_wait3A_330 = arith.constant 0 : i32
    %dma_wait3A_331 = arith.constant 0 : i32
    %dma_wait3A_332 = tpu.memref_slice %arg5[%dma_wait3A_330, %dma_wait3A_331] : memref<1000001x32xf32, #tpu.memory_space<hbm>> -> memref<1000001x32xf32, #tpu.memory_space<hbm>>
    tpu.wait_indirect_dma semaphore(%arg18 : memref<!tpu.dma_semaphore, #tpu.memory_space<semaphore_mem>>) src(%dma_wait3A_332 : memref<1000001x32xf32, #tpu.memory_space<hbm>>) dst(%dma_wait3A_326 : memref<128x32xf32, #tpu.memory_space<vmem>>)
    %dma_wait3A_333 = arith.constant 0 : i32
    %dma_wait3A_334 = arith.constant 3 : i32
    %dma_wait3A_335 = arith.constant 384 : i32
    %dma_wait3A_336 = tpu.memref_slice %arg14[%dma_wait3A_335] : memref<512xf32, #tpu.memory_space<vmem>> -> memref<128xf32, #tpu.memory_space<vmem>>
    %dma_wait3A_337 = arith.constant 0 : i32
    %dma_wait3A_338 = tpu.memref_slice %arg10[%dma_wait3A_334, %dma_wait3A_337] : memref<4x128xi32, #tpu.memory_space<vmem>> -> memref<1x128xi32, #tpu.memory_space<vmem>>
    %dma_wait3A_339 = tpu.memref_squeeze %dma_wait3A_338 : memref<1x128xi32, #tpu.memory_space<vmem>> -> memref<128xi32, #tpu.memory_space<vmem>>
    %dma_wait3A_340 = arith.constant 0 : i32
    %dma_wait3A_341 = tpu.memref_slice %arg6[%dma_wait3A_333, %dma_wait3A_340] : memref<1x1000001xf32, #tpu.memory_space<hbm>> -> memref<1x1000001xf32, #tpu.memory_space<hbm>>
    %dma_wait3A_342 = tpu.memref_squeeze %dma_wait3A_341 : memref<1x1000001xf32, #tpu.memory_space<hbm>> -> memref<1000001xf32, #tpu.memory_space<hbm>>
    %dma_wait3A_343 = arith.constant 0 : i32
    %dma_wait3A_344 = tpu.memref_slice %dma_wait3A_342[%dma_wait3A_343] : memref<1000001xf32, #tpu.memory_space<hbm>> -> memref<1000001xf32, #tpu.memory_space<hbm>>
    tpu.wait_indirect_dma semaphore(%arg18 : memref<!tpu.dma_semaphore, #tpu.memory_space<semaphore_mem>>) src(%dma_wait3A_344 : memref<1000001xf32, #tpu.memory_space<hbm>>) dst(%dma_wait3A_336 : memref<128xf32, #tpu.memory_space<vmem>>)
    %dma_wait3A_345 = arith.constant 0 : i32
    %dma_wait3A_346 = arith.constant 3 : i32
    %dma_wait3A_347 = arith.constant 384 : i32
    %dma_wait3A_348 = tpu.memref_slice %arg15[%dma_wait3A_347] : memref<512xf32, #tpu.memory_space<vmem>> -> memref<128xf32, #tpu.memory_space<vmem>>
    %dma_wait3A_349 = arith.constant 0 : i32
    %dma_wait3A_350 = tpu.memref_slice %arg11[%dma_wait3A_346, %dma_wait3A_349] : memref<4x128xi32, #tpu.memory_space<vmem>> -> memref<1x128xi32, #tpu.memory_space<vmem>>
    %dma_wait3A_351 = tpu.memref_squeeze %dma_wait3A_350 : memref<1x128xi32, #tpu.memory_space<vmem>> -> memref<128xi32, #tpu.memory_space<vmem>>
    %dma_wait3A_352 = arith.constant 0 : i32
    %dma_wait3A_353 = tpu.memref_slice %arg7[%dma_wait3A_345, %dma_wait3A_352] : memref<1x1000001xf32, #tpu.memory_space<hbm>> -> memref<1x1000001xf32, #tpu.memory_space<hbm>>
    %dma_wait3A_354 = tpu.memref_squeeze %dma_wait3A_353 : memref<1x1000001xf32, #tpu.memory_space<hbm>> -> memref<1000001xf32, #tpu.memory_space<hbm>>
    %dma_wait3A_355 = arith.constant 0 : i32
    %dma_wait3A_356 = tpu.memref_slice %dma_wait3A_354[%dma_wait3A_355] : memref<1000001xf32, #tpu.memory_space<hbm>> -> memref<1000001xf32, #tpu.memory_space<hbm>>
    tpu.wait_indirect_dma semaphore(%arg18 : memref<!tpu.dma_semaphore, #tpu.memory_space<semaphore_mem>>) src(%dma_wait3A_356 : memref<1000001xf32, #tpu.memory_space<hbm>>) dst(%dma_wait3A_348 : memref<128xf32, #tpu.memory_space<vmem>>)
    %get3A = arith.constant 0 : index
    %get3A_357 = tpu.vector_load %arg16[%get3A] {strides = array<i32>} : memref<16xf32, #tpu.memory_space<vmem>>, vector<16xf32>,
    %scan3A = arith.constant 0 : i32
    %scan3A_358 = arith.constant 0 : i32
    %scan3A_359 = arith.constant 32 : i32
    %scan3A_360 = arith.addi %scan3A_358, %scan3A_359 : i32
    %scan3A_361 = arith.constant 1 : i32
    scf.for %scan3A_363 = %scan3A_358 to %scan3A_360 step %scan3A_361  : i32 {
      %mul3A_364 = arith.constant 16 : i32
      %mul3A_365 = arith.muli %scan3A_363, %mul3A_364 : i32
      %iota3A = tpu.iota {dimensions = array<i32: 0>} : vector<16xi32>
      %add3A_366 = vector.broadcast %mul3A_365 : i32 to vector<16xi32>
      %add3A_367 = arith.addi %iota3A, %add3A_366 : vector<16xi32>
      %broadcast_in_dim3A = arith.constant 0.000000e+00 : f32
      %broadcast_in_dim3A_368 = vector.broadcast %broadcast_in_dim3A : f32 to vector<16xf32>
      %broadcast_in_dim3A_369 = arith.constant 0 : i32
      %broadcast_in_dim3A_370 = vector.broadcast %broadcast_in_dim3A_369 : i32 to vector<16xi32>
      %gather3A = tpu.vector_load_idx %arg12[%add3A_367, %broadcast_in_dim3A_370] : memref<512x32xf32, #tpu.memory_space<vmem>>[vector<16xi32>, vector<16xi32>], vector<16xf32>,
      %gather3A_371 = tpu.vector_load_idx %arg13[%add3A_367, %broadcast_in_dim3A_370] : memref<512x32xf32, #tpu.memory_space<vmem>>[vector<16xi32>, vector<16xi32>], vector<16xf32>,
      %max3A = arith.constant 0.000000e+00 : f32
      %max3A_372 = vector.broadcast %max3A : f32 to vector<16xf32>
      %max3A_373 = arith.maximumf %gather3A, %max3A_372 : vector<16xf32>
      %max3A_374 = arith.constant 0.000000e+00 : f32
      %max3A_375 = vector.broadcast %max3A_374 : f32 to vector<16xf32>
      %max3A_376 = arith.maximumf %gather3A_371, %max3A_375 : vector<16xf32>
      %mul3A_377 = arith.mulf %max3A_373, %max3A_376 : vector<16xf32>
      %add3A_378 = arith.addf %broadcast_in_dim3A_368, %mul3A_377 : vector<16xf32>
      %broadcast_in_dim3A_379 = arith.constant 1 : i32
      %broadcast_in_dim3A_380 = vector.broadcast %broadcast_in_dim3A_379 : i32 to vector<16xi32>
      %gather3A_381 = tpu.vector_load_idx %arg12[%add3A_367, %broadcast_in_dim3A_380] : memref<512x32xf32, #tpu.memory_space<vmem>>[vector<16xi32>, vector<16xi32>], vector<16xf32>,
      %gather3A_382 = tpu.vector_load_idx %arg13[%add3A_367, %broadcast_in_dim3A_380] : memref<512x32xf32, #tpu.memory_space<vmem>>[vector<16xi32>, vector<16xi32>], vector<16xf32>,
      %max3A_383 = arith.constant 0.000000e+00 : f32
      %max3A_384 = vector.broadcast %max3A_383 : f32 to vector<16xf32>
      %max3A_385 = arith.maximumf %gather3A_381, %max3A_384 : vector<16xf32>
      %max3A_386 = arith.constant 0.000000e+00 : f32
      %max3A_387 = vector.broadcast %max3A_386 : f32 to vector<16xf32>
      %max3A_388 = arith.maximumf %gather3A_382, %max3A_387 : vector<16xf32>
      %mul3A_389 = arith.mulf %max3A_385, %max3A_388 : vector<16xf32>
      %add3A_390 = arith.addf %add3A_378, %mul3A_389 : vector<16xf32>
      %broadcast_in_dim3A_391 = arith.constant 2 : i32
      %broadcast_in_dim3A_392 = vector.broadcast %broadcast_in_dim3A_391 : i32 to vector<16xi32>
      %gather3A_393 = tpu.vector_load_idx %arg12[%add3A_367, %broadcast_in_dim3A_392] : memref<512x32xf32, #tpu.memory_space<vmem>>[vector<16xi32>, vector<16xi32>], vector<16xf32>,
      %gather3A_394 = tpu.vector_load_idx %arg13[%add3A_367, %broadcast_in_dim3A_392] : memref<512x32xf32, #tpu.memory_space<vmem>>[vector<16xi32>, vector<16xi32>], vector<16xf32>,
      %max3A_395 = arith.constant 0.000000e+00 : f32
      %max3A_396 = vector.broadcast %max3A_395 : f32 to vector<16xf32>
      %max3A_397 = arith.maximumf %gather3A_393, %max3A_396 : vector<16xf32>
      %max3A_398 = arith.constant 0.000000e+00 : f32
      %max3A_399 = vector.broadcast %max3A_398 : f32 to vector<16xf32>
      %max3A_400 = arith.maximumf %gather3A_394, %max3A_399 : vector<16xf32>
      %mul3A_401 = arith.mulf %max3A_397, %max3A_400 : vector<16xf32>
      %add3A_402 = arith.addf %add3A_390, %mul3A_401 : vector<16xf32>
      %broadcast_in_dim3A_403 = arith.constant 3 : i32
      %broadcast_in_dim3A_404 = vector.broadcast %broadcast_in_dim3A_403 : i32 to vector<16xi32>
      %gather3A_405 = tpu.vector_load_idx %arg12[%add3A_367, %broadcast_in_dim3A_404] : memref<512x32xf32, #tpu.memory_space<vmem>>[vector<16xi32>, vector<16xi32>], vector<16xf32>,
      %gather3A_406 = tpu.vector_load_idx %arg13[%add3A_367, %broadcast_in_dim3A_404] : memref<512x32xf32, #tpu.memory_space<vmem>>[vector<16xi32>, vector<16xi32>], vector<16xf32>,
      %max3A_407 = arith.constant 0.000000e+00 : f32
      %max3A_408 = vector.broadcast %max3A_407 : f32 to vector<16xf32>
      %max3A_409 = arith.maximumf %gather3A_405, %max3A_408 : vector<16xf32>
      %max3A_410 = arith.constant 0.000000e+00 : f32
      %max3A_411 = vector.broadcast %max3A_410 : f32 to vector<16xf32>
      %max3A_412 = arith.maximumf %gather3A_406, %max3A_411 : vector<16xf32>
      %mul3A_413 = arith.mulf %max3A_409, %max3A_412 : vector<16xf32>
      %add3A_414 = arith.addf %add3A_402, %mul3A_413 : vector<16xf32>
      %broadcast_in_dim3A_415 = arith.constant 4 : i32
      %broadcast_in_dim3A_416 = vector.broadcast %broadcast_in_dim3A_415 : i32 to vector<16xi32>
      %gather3A_417 = tpu.vector_load_idx %arg12[%add3A_367, %broadcast_in_dim3A_416] : memref<512x32xf32, #tpu.memory_space<vmem>>[vector<16xi32>, vector<16xi32>], vector<16xf32>,
      %gather3A_418 = tpu.vector_load_idx %arg13[%add3A_367, %broadcast_in_dim3A_416] : memref<512x32xf32, #tpu.memory_space<vmem>>[vector<16xi32>, vector<16xi32>], vector<16xf32>,
      %max3A_419 = arith.constant 0.000000e+00 : f32
      %max3A_420 = vector.broadcast %max3A_419 : f32 to vector<16xf32>
      %max3A_421 = arith.maximumf %gather3A_417, %max3A_420 : vector<16xf32>
      %max3A_422 = arith.constant 0.000000e+00 : f32
      %max3A_423 = vector.broadcast %max3A_422 : f32 to vector<16xf32>
      %max3A_424 = arith.maximumf %gather3A_418, %max3A_423 : vector<16xf32>
      %mul3A_425 = arith.mulf %max3A_421, %max3A_424 : vector<16xf32>
      %add3A_426 = arith.addf %add3A_414, %mul3A_425 : vector<16xf32>
      %broadcast_in_dim3A_427 = arith.constant 5 : i32
      %broadcast_in_dim3A_428 = vector.broadcast %broadcast_in_dim3A_427 : i32 to vector<16xi32>
      %gather3A_429 = tpu.vector_load_idx %arg12[%add3A_367, %broadcast_in_dim3A_428] : memref<512x32xf32, #tpu.memory_space<vmem>>[vector<16xi32>, vector<16xi32>], vector<16xf32>,
      %gather3A_430 = tpu.vector_load_idx %arg13[%add3A_367, %broadcast_in_dim3A_428] : memref<512x32xf32, #tpu.memory_space<vmem>>[vector<16xi32>, vector<16xi32>], vector<16xf32>,
      %max3A_431 = arith.constant 0.000000e+00 : f32
      %max3A_432 = vector.broadcast %max3A_431 : f32 to vector<16xf32>
      %max3A_433 = arith.maximumf %gather3A_429, %max3A_432 : vector<16xf32>
      %max3A_434 = arith.constant 0.000000e+00 : f32
      %max3A_435 = vector.broadcast %max3A_434 : f32 to vector<16xf32>
      %max3A_436 = arith.maximumf %gather3A_430, %max3A_435 : vector<16xf32>
      %mul3A_437 = arith.mulf %max3A_433, %max3A_436 : vector<16xf32>
      %add3A_438 = arith.addf %add3A_426, %mul3A_437 : vector<16xf32>
      %broadcast_in_dim3A_439 = arith.constant 6 : i32
      %broadcast_in_dim3A_440 = vector.broadcast %broadcast_in_dim3A_439 : i32 to vector<16xi32>
      %gather3A_441 = tpu.vector_load_idx %arg12[%add3A_367, %broadcast_in_dim3A_440] : memref<512x32xf32, #tpu.memory_space<vmem>>[vector<16xi32>, vector<16xi32>], vector<16xf32>,
      %gather3A_442 = tpu.vector_load_idx %arg13[%add3A_367, %broadcast_in_dim3A_440] : memref<512x32xf32, #tpu.memory_space<vmem>>[vector<16xi32>, vector<16xi32>], vector<16xf32>,
      %max3A_443 = arith.constant 0.000000e+00 : f32
      %max3A_444 = vector.broadcast %max3A_443 : f32 to vector<16xf32>
      %max3A_445 = arith.maximumf %gather3A_441, %max3A_444 : vector<16xf32>
      %max3A_446 = arith.constant 0.000000e+00 : f32
      %max3A_447 = vector.broadcast %max3A_446 : f32 to vector<16xf32>
      %max3A_448 = arith.maximumf %gather3A_442, %max3A_447 : vector<16xf32>
      %mul3A_449 = arith.mulf %max3A_445, %max3A_448 : vector<16xf32>
      %add3A_450 = arith.addf %add3A_438, %mul3A_449 : vector<16xf32>
      %broadcast_in_dim3A_451 = arith.constant 7 : i32
      %broadcast_in_dim3A_452 = vector.broadcast %broadcast_in_dim3A_451 : i32 to vector<16xi32>
      %gather3A_453 = tpu.vector_load_idx %arg12[%add3A_367, %broadcast_in_dim3A_452] : memref<512x32xf32, #tpu.memory_space<vmem>>[vector<16xi32>, vector<16xi32>], vector<16xf32>,
      %gather3A_454 = tpu.vector_load_idx %arg13[%add3A_367, %broadcast_in_dim3A_452] : memref<512x32xf32, #tpu.memory_space<vmem>>[vector<16xi32>, vector<16xi32>], vector<16xf32>,
      %max3A_455 = arith.constant 0.000000e+00 : f32
      %max3A_456 = vector.broadcast %max3A_455 : f32 to vector<16xf32>
      %max3A_457 = arith.maximumf %gather3A_453, %max3A_456 : vector<16xf32>
      %max3A_458 = arith.constant 0.000000e+00 : f32
      %max3A_459 = vector.broadcast %max3A_458 : f32 to vector<16xf32>
      %max3A_460 = arith.maximumf %gather3A_454, %max3A_459 : vector<16xf32>
      %mul3A_461 = arith.mulf %max3A_457, %max3A_460 : vector<16xf32>
      %add3A_462 = arith.addf %add3A_450, %mul3A_461 : vector<16xf32>
      %broadcast_in_dim3A_463 = arith.constant 8 : i32
      %broadcast_in_dim3A_464 = vector.broadcast %broadcast_in_dim3A_463 : i32 to vector<16xi32>
      %gather3A_465 = tpu.vector_load_idx %arg12[%add3A_367, %broadcast_in_dim3A_464] : memref<512x32xf32, #tpu.memory_space<vmem>>[vector<16xi32>, vector<16xi32>], vector<16xf32>,
      %gather3A_466 = tpu.vector_load_idx %arg13[%add3A_367, %broadcast_in_dim3A_464] : memref<512x32xf32, #tpu.memory_space<vmem>>[vector<16xi32>, vector<16xi32>], vector<16xf32>,
      %max3A_467 = arith.constant 0.000000e+00 : f32
      %max3A_468 = vector.broadcast %max3A_467 : f32 to vector<16xf32>
      %max3A_469 = arith.maximumf %gather3A_465, %max3A_468 : vector<16xf32>
      %max3A_470 = arith.constant 0.000000e+00 : f32
      %max3A_471 = vector.broadcast %max3A_470 : f32 to vector<16xf32>
      %max3A_472 = arith.maximumf %gather3A_466, %max3A_471 : vector<16xf32>
      %mul3A_473 = arith.mulf %max3A_469, %max3A_472 : vector<16xf32>
      %add3A_474 = arith.addf %add3A_462, %mul3A_473 : vector<16xf32>
      %broadcast_in_dim3A_475 = arith.constant 9 : i32
      %broadcast_in_dim3A_476 = vector.broadcast %broadcast_in_dim3A_475 : i32 to vector<16xi32>
      %gather3A_477 = tpu.vector_load_idx %arg12[%add3A_367, %broadcast_in_dim3A_476] : memref<512x32xf32, #tpu.memory_space<vmem>>[vector<16xi32>, vector<16xi32>], vector<16xf32>,
      %gather3A_478 = tpu.vector_load_idx %arg13[%add3A_367, %broadcast_in_dim3A_476] : memref<512x32xf32, #tpu.memory_space<vmem>>[vector<16xi32>, vector<16xi32>], vector<16xf32>,
      %max3A_479 = arith.constant 0.000000e+00 : f32
      %max3A_480 = vector.broadcast %max3A_479 : f32 to vector<16xf32>
      %max3A_481 = arith.maximumf %gather3A_477, %max3A_480 : vector<16xf32>
      %max3A_482 = arith.constant 0.000000e+00 : f32
      %max3A_483 = vector.broadcast %max3A_482 : f32 to vector<16xf32>
      %max3A_484 = arith.maximumf %gather3A_478, %max3A_483 : vector<16xf32>
      %mul3A_485 = arith.mulf %max3A_481, %max3A_484 : vector<16xf32>
      %add3A_486 = arith.addf %add3A_474, %mul3A_485 : vector<16xf32>
      %broadcast_in_dim3A_487 = arith.constant 10 : i32
      %broadcast_in_dim3A_488 = vector.broadcast %broadcast_in_dim3A_487 : i32 to vector<16xi32>
      %gather3A_489 = tpu.vector_load_idx %arg12[%add3A_367, %broadcast_in_dim3A_488] : memref<512x32xf32, #tpu.memory_space<vmem>>[vector<16xi32>, vector<16xi32>], vector<16xf32>,
      %gather3A_490 = tpu.vector_load_idx %arg13[%add3A_367, %broadcast_in_dim3A_488] : memref<512x32xf32, #tpu.memory_space<vmem>>[vector<16xi32>, vector<16xi32>], vector<16xf32>,
      %max3A_491 = arith.constant 0.000000e+00 : f32
      %max3A_492 = vector.broadcast %max3A_491 : f32 to vector<16xf32>
      %max3A_493 = arith.maximumf %gather3A_489, %max3A_492 : vector<16xf32>
      %max3A_494 = arith.constant 0.000000e+00 : f32
      %max3A_495 = vector.broadcast %max3A_494 : f32 to vector<16xf32>
      %max3A_496 = arith.maximumf %gather3A_490, %max3A_495 : vector<16xf32>
      %mul3A_497 = arith.mulf %max3A_493, %max3A_496 : vector<16xf32>
      %add3A_498 = arith.addf %add3A_486, %mul3A_497 : vector<16xf32>
      %broadcast_in_dim3A_499 = arith.constant 11 : i32
      %broadcast_in_dim3A_500 = vector.broadcast %broadcast_in_dim3A_499 : i32 to vector<16xi32>
      %gather3A_501 = tpu.vector_load_idx %arg12[%add3A_367, %broadcast_in_dim3A_500] : memref<512x32xf32, #tpu.memory_space<vmem>>[vector<16xi32>, vector<16xi32>], vector<16xf32>,
      %gather3A_502 = tpu.vector_load_idx %arg13[%add3A_367, %broadcast_in_dim3A_500] : memref<512x32xf32, #tpu.memory_space<vmem>>[vector<16xi32>, vector<16xi32>], vector<16xf32>,
      %max3A_503 = arith.constant 0.000000e+00 : f32
      %max3A_504 = vector.broadcast %max3A_503 : f32 to vector<16xf32>
      %max3A_505 = arith.maximumf %gather3A_501, %max3A_504 : vector<16xf32>
      %max3A_506 = arith.constant 0.000000e+00 : f32
      %max3A_507 = vector.broadcast %max3A_506 : f32 to vector<16xf32>
      %max3A_508 = arith.maximumf %gather3A_502, %max3A_507 : vector<16xf32>
      %mul3A_509 = arith.mulf %max3A_505, %max3A_508 : vector<16xf32>
      %add3A_510 = arith.addf %add3A_498, %mul3A_509 : vector<16xf32>
      %broadcast_in_dim3A_511 = arith.constant 12 : i32
      %broadcast_in_dim3A_512 = vector.broadcast %broadcast_in_dim3A_511 : i32 to vector<16xi32>
      %gather3A_513 = tpu.vector_load_idx %arg12[%add3A_367, %broadcast_in_dim3A_512] : memref<512x32xf32, #tpu.memory_space<vmem>>[vector<16xi32>, vector<16xi32>], vector<16xf32>,
      %gather3A_514 = tpu.vector_load_idx %arg13[%add3A_367, %broadcast_in_dim3A_512] : memref<512x32xf32, #tpu.memory_space<vmem>>[vector<16xi32>, vector<16xi32>], vector<16xf32>,
      %max3A_515 = arith.constant 0.000000e+00 : f32
      %max3A_516 = vector.broadcast %max3A_515 : f32 to vector<16xf32>
      %max3A_517 = arith.maximumf %gather3A_513, %max3A_516 : vector<16xf32>
      %max3A_518 = arith.constant 0.000000e+00 : f32
      %max3A_519 = vector.broadcast %max3A_518 : f32 to vector<16xf32>
      %max3A_520 = arith.maximumf %gather3A_514, %max3A_519 : vector<16xf32>
      %mul3A_521 = arith.mulf %max3A_517, %max3A_520 : vector<16xf32>
      %add3A_522 = arith.addf %add3A_510, %mul3A_521 : vector<16xf32>
      %broadcast_in_dim3A_523 = arith.constant 13 : i32
      %broadcast_in_dim3A_524 = vector.broadcast %broadcast_in_dim3A_523 : i32 to vector<16xi32>
      %gather3A_525 = tpu.vector_load_idx %arg12[%add3A_367, %broadcast_in_dim3A_524] : memref<512x32xf32, #tpu.memory_space<vmem>>[vector<16xi32>, vector<16xi32>], vector<16xf32>,
      %gather3A_526 = tpu.vector_load_idx %arg13[%add3A_367, %broadcast_in_dim3A_524] : memref<512x32xf32, #tpu.memory_space<vmem>>[vector<16xi32>, vector<16xi32>], vector<16xf32>,
      %max3A_527 = arith.constant 0.000000e+00 : f32
      %max3A_528 = vector.broadcast %max3A_527 : f32 to vector<16xf32>
      %max3A_529 = arith.maximumf %gather3A_525, %max3A_528 : vector<16xf32>
      %max3A_530 = arith.constant 0.000000e+00 : f32
      %max3A_531 = vector.broadcast %max3A_530 : f32 to vector<16xf32>
      %max3A_532 = arith.maximumf %gather3A_526, %max3A_531 : vector<16xf32>
      %mul3A_533 = arith.mulf %max3A_529, %max3A_532 : vector<16xf32>
      %add3A_534 = arith.addf %add3A_522, %mul3A_533 : vector<16xf32>
      %broadcast_in_dim3A_535 = arith.constant 14 : i32
      %broadcast_in_dim3A_536 = vector.broadcast %broadcast_in_dim3A_535 : i32 to vector<16xi32>
      %gather3A_537 = tpu.vector_load_idx %arg12[%add3A_367, %broadcast_in_dim3A_536] : memref<512x32xf32, #tpu.memory_space<vmem>>[vector<16xi32>, vector<16xi32>], vector<16xf32>,
      %gather3A_538 = tpu.vector_load_idx %arg13[%add3A_367, %broadcast_in_dim3A_536] : memref<512x32xf32, #tpu.memory_space<vmem>>[vector<16xi32>, vector<16xi32>], vector<16xf32>,
      %max3A_539 = arith.constant 0.000000e+00 : f32
      %max3A_540 = vector.broadcast %max3A_539 : f32 to vector<16xf32>
      %max3A_541 = arith.maximumf %gather3A_537, %max3A_540 : vector<16xf32>
      %max3A_542 = arith.constant 0.000000e+00 : f32
      %max3A_543 = vector.broadcast %max3A_542 : f32 to vector<16xf32>
      %max3A_544 = arith.maximumf %gather3A_538, %max3A_543 : vector<16xf32>
      %mul3A_545 = arith.mulf %max3A_541, %max3A_544 : vector<16xf32>
      %add3A_546 = arith.addf %add3A_534, %mul3A_545 : vector<16xf32>
      %broadcast_in_dim3A_547 = arith.constant 15 : i32
      %broadcast_in_dim3A_548 = vector.broadcast %broadcast_in_dim3A_547 : i32 to vector<16xi32>
      %gather3A_549 = tpu.vector_load_idx %arg12[%add3A_367, %broadcast_in_dim3A_548] : memref<512x32xf32, #tpu.memory_space<vmem>>[vector<16xi32>, vector<16xi32>], vector<16xf32>,
      %gather3A_550 = tpu.vector_load_idx %arg13[%add3A_367, %broadcast_in_dim3A_548] : memref<512x32xf32, #tpu.memory_space<vmem>>[vector<16xi32>, vector<16xi32>], vector<16xf32>,
      %max3A_551 = arith.constant 0.000000e+00 : f32
      %max3A_552 = vector.broadcast %max3A_551 : f32 to vector<16xf32>
      %max3A_553 = arith.maximumf %gather3A_549, %max3A_552 : vector<16xf32>
      %max3A_554 = arith.constant 0.000000e+00 : f32
      %max3A_555 = vector.broadcast %max3A_554 : f32 to vector<16xf32>
      %max3A_556 = arith.maximumf %gather3A_550, %max3A_555 : vector<16xf32>
      %mul3A_557 = arith.mulf %max3A_553, %max3A_556 : vector<16xf32>
      %add3A_558 = arith.addf %add3A_546, %mul3A_557 : vector<16xf32>
      %broadcast_in_dim3A_559 = arith.constant 16 : i32
      %broadcast_in_dim3A_560 = vector.broadcast %broadcast_in_dim3A_559 : i32 to vector<16xi32>
      %gather3A_561 = tpu.vector_load_idx %arg12[%add3A_367, %broadcast_in_dim3A_560] : memref<512x32xf32, #tpu.memory_space<vmem>>[vector<16xi32>, vector<16xi32>], vector<16xf32>,
      %gather3A_562 = tpu.vector_load_idx %arg13[%add3A_367, %broadcast_in_dim3A_560] : memref<512x32xf32, #tpu.memory_space<vmem>>[vector<16xi32>, vector<16xi32>], vector<16xf32>,
      %max3A_563 = arith.constant 0.000000e+00 : f32
      %max3A_564 = vector.broadcast %max3A_563 : f32 to vector<16xf32>
      %max3A_565 = arith.maximumf %gather3A_561, %max3A_564 : vector<16xf32>
      %max3A_566 = arith.constant 0.000000e+00 : f32
      %max3A_567 = vector.broadcast %max3A_566 : f32 to vector<16xf32>
      %max3A_568 = arith.maximumf %gather3A_562, %max3A_567 : vector<16xf32>
      %mul3A_569 = arith.mulf %max3A_565, %max3A_568 : vector<16xf32>
      %add3A_570 = arith.addf %add3A_558, %mul3A_569 : vector<16xf32>
      %broadcast_in_dim3A_571 = arith.constant 17 : i32
      %broadcast_in_dim3A_572 = vector.broadcast %broadcast_in_dim3A_571 : i32 to vector<16xi32>
      %gather3A_573 = tpu.vector_load_idx %arg12[%add3A_367, %broadcast_in_dim3A_572] : memref<512x32xf32, #tpu.memory_space<vmem>>[vector<16xi32>, vector<16xi32>], vector<16xf32>,
      %gather3A_574 = tpu.vector_load_idx %arg13[%add3A_367, %broadcast_in_dim3A_572] : memref<512x32xf32, #tpu.memory_space<vmem>>[vector<16xi32>, vector<16xi32>], vector<16xf32>,
      %max3A_575 = arith.constant 0.000000e+00 : f32
      %max3A_576 = vector.broadcast %max3A_575 : f32 to vector<16xf32>
      %max3A_577 = arith.maximumf %gather3A_573, %max3A_576 : vector<16xf32>
      %max3A_578 = arith.constant 0.000000e+00 : f32
      %max3A_579 = vector.broadcast %max3A_578 : f32 to vector<16xf32>
      %max3A_580 = arith.maximumf %gather3A_574, %max3A_579 : vector<16xf32>
      %mul3A_581 = arith.mulf %max3A_577, %max3A_580 : vector<16xf32>
      %add3A_582 = arith.addf %add3A_570, %mul3A_581 : vector<16xf32>
      %broadcast_in_dim3A_583 = arith.constant 18 : i32
      %broadcast_in_dim3A_584 = vector.broadcast %broadcast_in_dim3A_583 : i32 to vector<16xi32>
      %gather3A_585 = tpu.vector_load_idx %arg12[%add3A_367, %broadcast_in_dim3A_584] : memref<512x32xf32, #tpu.memory_space<vmem>>[vector<16xi32>, vector<16xi32>], vector<16xf32>,
      %gather3A_586 = tpu.vector_load_idx %arg13[%add3A_367, %broadcast_in_dim3A_584] : memref<512x32xf32, #tpu.memory_space<vmem>>[vector<16xi32>, vector<16xi32>], vector<16xf32>,
      %max3A_587 = arith.constant 0.000000e+00 : f32
      %max3A_588 = vector.broadcast %max3A_587 : f32 to vector<16xf32>
      %max3A_589 = arith.maximumf %gather3A_585, %max3A_588 : vector<16xf32>
      %max3A_590 = arith.constant 0.000000e+00 : f32
      %max3A_591 = vector.broadcast %max3A_590 : f32 to vector<16xf32>
      %max3A_592 = arith.maximumf %gather3A_586, %max3A_591 : vector<16xf32>
      %mul3A_593 = arith.mulf %max3A_589, %max3A_592 : vector<16xf32>
      %add3A_594 = arith.addf %add3A_582, %mul3A_593 : vector<16xf32>
      %broadcast_in_dim3A_595 = arith.constant 19 : i32
      %broadcast_in_dim3A_596 = vector.broadcast %broadcast_in_dim3A_595 : i32 to vector<16xi32>
      %gather3A_597 = tpu.vector_load_idx %arg12[%add3A_367, %broadcast_in_dim3A_596] : memref<512x32xf32, #tpu.memory_space<vmem>>[vector<16xi32>, vector<16xi32>], vector<16xf32>,
      %gather3A_598 = tpu.vector_load_idx %arg13[%add3A_367, %broadcast_in_dim3A_596] : memref<512x32xf32, #tpu.memory_space<vmem>>[vector<16xi32>, vector<16xi32>], vector<16xf32>,
      %max3A_599 = arith.constant 0.000000e+00 : f32
      %max3A_600 = vector.broadcast %max3A_599 : f32 to vector<16xf32>
      %max3A_601 = arith.maximumf %gather3A_597, %max3A_600 : vector<16xf32>
      %max3A_602 = arith.constant 0.000000e+00 : f32
      %max3A_603 = vector.broadcast %max3A_602 : f32 to vector<16xf32>
      %max3A_604 = arith.maximumf %gather3A_598, %max3A_603 : vector<16xf32>
      %mul3A_605 = arith.mulf %max3A_601, %max3A_604 : vector<16xf32>
      %add3A_606 = arith.addf %add3A_594, %mul3A_605 : vector<16xf32>
      %broadcast_in_dim3A_607 = arith.constant 20 : i32
      %broadcast_in_dim3A_608 = vector.broadcast %broadcast_in_dim3A_607 : i32 to vector<16xi32>
      %gather3A_609 = tpu.vector_load_idx %arg12[%add3A_367, %broadcast_in_dim3A_608] : memref<512x32xf32, #tpu.memory_space<vmem>>[vector<16xi32>, vector<16xi32>], vector<16xf32>,
      %gather3A_610 = tpu.vector_load_idx %arg13[%add3A_367, %broadcast_in_dim3A_608] : memref<512x32xf32, #tpu.memory_space<vmem>>[vector<16xi32>, vector<16xi32>], vector<16xf32>,
      %max3A_611 = arith.constant 0.000000e+00 : f32
      %max3A_612 = vector.broadcast %max3A_611 : f32 to vector<16xf32>
      %max3A_613 = arith.maximumf %gather3A_609, %max3A_612 : vector<16xf32>
      %max3A_614 = arith.constant 0.000000e+00 : f32
      %max3A_615 = vector.broadcast %max3A_614 : f32 to vector<16xf32>
      %max3A_616 = arith.maximumf %gather3A_610, %max3A_615 : vector<16xf32>
      %mul3A_617 = arith.mulf %max3A_613, %max3A_616 : vector<16xf32>
      %add3A_618 = arith.addf %add3A_606, %mul3A_617 : vector<16xf32>
      %broadcast_in_dim3A_619 = arith.constant 21 : i32
      %broadcast_in_dim3A_620 = vector.broadcast %broadcast_in_dim3A_619 : i32 to vector<16xi32>
      %gather3A_621 = tpu.vector_load_idx %arg12[%add3A_367, %broadcast_in_dim3A_620] : memref<512x32xf32, #tpu.memory_space<vmem>>[vector<16xi32>, vector<16xi32>], vector<16xf32>,
      %gather3A_622 = tpu.vector_load_idx %arg13[%add3A_367, %broadcast_in_dim3A_620] : memref<512x32xf32, #tpu.memory_space<vmem>>[vector<16xi32>, vector<16xi32>], vector<16xf32>,
      %max3A_623 = arith.constant 0.000000e+00 : f32
      %max3A_624 = vector.broadcast %max3A_623 : f32 to vector<16xf32>
      %max3A_625 = arith.maximumf %gather3A_621, %max3A_624 : vector<16xf32>
      %max3A_626 = arith.constant 0.000000e+00 : f32
      %max3A_627 = vector.broadcast %max3A_626 : f32 to vector<16xf32>
      %max3A_628 = arith.maximumf %gather3A_622, %max3A_627 : vector<16xf32>
      %mul3A_629 = arith.mulf %max3A_625, %max3A_628 : vector<16xf32>
      %add3A_630 = arith.addf %add3A_618, %mul3A_629 : vector<16xf32>
      %broadcast_in_dim3A_631 = arith.constant 22 : i32
      %broadcast_in_dim3A_632 = vector.broadcast %broadcast_in_dim3A_631 : i32 to vector<16xi32>
      %gather3A_633 = tpu.vector_load_idx %arg12[%add3A_367, %broadcast_in_dim3A_632] : memref<512x32xf32, #tpu.memory_space<vmem>>[vector<16xi32>, vector<16xi32>], vector<16xf32>,
      %gather3A_634 = tpu.vector_load_idx %arg13[%add3A_367, %broadcast_in_dim3A_632] : memref<512x32xf32, #tpu.memory_space<vmem>>[vector<16xi32>, vector<16xi32>], vector<16xf32>,
      %max3A_635 = arith.constant 0.000000e+00 : f32
      %max3A_636 = vector.broadcast %max3A_635 : f32 to vector<16xf32>
      %max3A_637 = arith.maximumf %gather3A_633, %max3A_636 : vector<16xf32>
      %max3A_638 = arith.constant 0.000000e+00 : f32
      %max3A_639 = vector.broadcast %max3A_638 : f32 to vector<16xf32>
      %max3A_640 = arith.maximumf %gather3A_634, %max3A_639 : vector<16xf32>
      %mul3A_641 = arith.mulf %max3A_637, %max3A_640 : vector<16xf32>
      %add3A_642 = arith.addf %add3A_630, %mul3A_641 : vector<16xf32>
      %broadcast_in_dim3A_643 = arith.constant 23 : i32
      %broadcast_in_dim3A_644 = vector.broadcast %broadcast_in_dim3A_643 : i32 to vector<16xi32>
      %gather3A_645 = tpu.vector_load_idx %arg12[%add3A_367, %broadcast_in_dim3A_644] : memref<512x32xf32, #tpu.memory_space<vmem>>[vector<16xi32>, vector<16xi32>], vector<16xf32>,
      %gather3A_646 = tpu.vector_load_idx %arg13[%add3A_367, %broadcast_in_dim3A_644] : memref<512x32xf32, #tpu.memory_space<vmem>>[vector<16xi32>, vector<16xi32>], vector<16xf32>,
      %max3A_647 = arith.constant 0.000000e+00 : f32
      %max3A_648 = vector.broadcast %max3A_647 : f32 to vector<16xf32>
      %max3A_649 = arith.maximumf %gather3A_645, %max3A_648 : vector<16xf32>
      %max3A_650 = arith.constant 0.000000e+00 : f32
      %max3A_651 = vector.broadcast %max3A_650 : f32 to vector<16xf32>
      %max3A_652 = arith.maximumf %gather3A_646, %max3A_651 : vector<16xf32>
      %mul3A_653 = arith.mulf %max3A_649, %max3A_652 : vector<16xf32>
      %add3A_654 = arith.addf %add3A_642, %mul3A_653 : vector<16xf32>
      %broadcast_in_dim3A_655 = arith.constant 24 : i32
      %broadcast_in_dim3A_656 = vector.broadcast %broadcast_in_dim3A_655 : i32 to vector<16xi32>
      %gather3A_657 = tpu.vector_load_idx %arg12[%add3A_367, %broadcast_in_dim3A_656] : memref<512x32xf32, #tpu.memory_space<vmem>>[vector<16xi32>, vector<16xi32>], vector<16xf32>,
      %gather3A_658 = tpu.vector_load_idx %arg13[%add3A_367, %broadcast_in_dim3A_656] : memref<512x32xf32, #tpu.memory_space<vmem>>[vector<16xi32>, vector<16xi32>], vector<16xf32>,
      %max3A_659 = arith.constant 0.000000e+00 : f32
      %max3A_660 = vector.broadcast %max3A_659 : f32 to vector<16xf32>
      %max3A_661 = arith.maximumf %gather3A_657, %max3A_660 : vector<16xf32>
      %max3A_662 = arith.constant 0.000000e+00 : f32
      %max3A_663 = vector.broadcast %max3A_662 : f32 to vector<16xf32>
      %max3A_664 = arith.maximumf %gather3A_658, %max3A_663 : vector<16xf32>
      %mul3A_665 = arith.mulf %max3A_661, %max3A_664 : vector<16xf32>
      %add3A_666 = arith.addf %add3A_654, %mul3A_665 : vector<16xf32>
      %broadcast_in_dim3A_667 = arith.constant 25 : i32
      %broadcast_in_dim3A_668 = vector.broadcast %broadcast_in_dim3A_667 : i32 to vector<16xi32>
      %gather3A_669 = tpu.vector_load_idx %arg12[%add3A_367, %broadcast_in_dim3A_668] : memref<512x32xf32, #tpu.memory_space<vmem>>[vector<16xi32>, vector<16xi32>], vector<16xf32>,
      %gather3A_670 = tpu.vector_load_idx %arg13[%add3A_367, %broadcast_in_dim3A_668] : memref<512x32xf32, #tpu.memory_space<vmem>>[vector<16xi32>, vector<16xi32>], vector<16xf32>,
      %max3A_671 = arith.constant 0.000000e+00 : f32
      %max3A_672 = vector.broadcast %max3A_671 : f32 to vector<16xf32>
      %max3A_673 = arith.maximumf %gather3A_669, %max3A_672 : vector<16xf32>
      %max3A_674 = arith.constant 0.000000e+00 : f32
      %max3A_675 = vector.broadcast %max3A_674 : f32 to vector<16xf32>
      %max3A_676 = arith.maximumf %gather3A_670, %max3A_675 : vector<16xf32>
      %mul3A_677 = arith.mulf %max3A_673, %max3A_676 : vector<16xf32>
      %add3A_678 = arith.addf %add3A_666, %mul3A_677 : vector<16xf32>
      %broadcast_in_dim3A_679 = arith.constant 26 : i32
      %broadcast_in_dim3A_680 = vector.broadcast %broadcast_in_dim3A_679 : i32 to vector<16xi32>
      %gather3A_681 = tpu.vector_load_idx %arg12[%add3A_367, %broadcast_in_dim3A_680] : memref<512x32xf32, #tpu.memory_space<vmem>>[vector<16xi32>, vector<16xi32>], vector<16xf32>,
      %gather3A_682 = tpu.vector_load_idx %arg13[%add3A_367, %broadcast_in_dim3A_680] : memref<512x32xf32, #tpu.memory_space<vmem>>[vector<16xi32>, vector<16xi32>], vector<16xf32>,
      %max3A_683 = arith.constant 0.000000e+00 : f32
      %max3A_684 = vector.broadcast %max3A_683 : f32 to vector<16xf32>
      %max3A_685 = arith.maximumf %gather3A_681, %max3A_684 : vector<16xf32>
      %max3A_686 = arith.constant 0.000000e+00 : f32
      %max3A_687 = vector.broadcast %max3A_686 : f32 to vector<16xf32>
      %max3A_688 = arith.maximumf %gather3A_682, %max3A_687 : vector<16xf32>
      %mul3A_689 = arith.mulf %max3A_685, %max3A_688 : vector<16xf32>
      %add3A_690 = arith.addf %add3A_678, %mul3A_689 : vector<16xf32>
      %broadcast_in_dim3A_691 = arith.constant 27 : i32
      %broadcast_in_dim3A_692 = vector.broadcast %broadcast_in_dim3A_691 : i32 to vector<16xi32>
      %gather3A_693 = tpu.vector_load_idx %arg12[%add3A_367, %broadcast_in_dim3A_692] : memref<512x32xf32, #tpu.memory_space<vmem>>[vector<16xi32>, vector<16xi32>], vector<16xf32>,
      %gather3A_694 = tpu.vector_load_idx %arg13[%add3A_367, %broadcast_in_dim3A_692] : memref<512x32xf32, #tpu.memory_space<vmem>>[vector<16xi32>, vector<16xi32>], vector<16xf32>,
      %max3A_695 = arith.constant 0.000000e+00 : f32
      %max3A_696 = vector.broadcast %max3A_695 : f32 to vector<16xf32>
      %max3A_697 = arith.maximumf %gather3A_693, %max3A_696 : vector<16xf32>
      %max3A_698 = arith.constant 0.000000e+00 : f32
      %max3A_699 = vector.broadcast %max3A_698 : f32 to vector<16xf32>
      %max3A_700 = arith.maximumf %gather3A_694, %max3A_699 : vector<16xf32>
      %mul3A_701 = arith.mulf %max3A_697, %max3A_700 : vector<16xf32>
      %add3A_702 = arith.addf %add3A_690, %mul3A_701 : vector<16xf32>
      %broadcast_in_dim3A_703 = arith.constant 28 : i32
      %broadcast_in_dim3A_704 = vector.broadcast %broadcast_in_dim3A_703 : i32 to vector<16xi32>
      %gather3A_705 = tpu.vector_load_idx %arg12[%add3A_367, %broadcast_in_dim3A_704] : memref<512x32xf32, #tpu.memory_space<vmem>>[vector<16xi32>, vector<16xi32>], vector<16xf32>,
      %gather3A_706 = tpu.vector_load_idx %arg13[%add3A_367, %broadcast_in_dim3A_704] : memref<512x32xf32, #tpu.memory_space<vmem>>[vector<16xi32>, vector<16xi32>], vector<16xf32>,
      %max3A_707 = arith.constant 0.000000e+00 : f32
      %max3A_708 = vector.broadcast %max3A_707 : f32 to vector<16xf32>
      %max3A_709 = arith.maximumf %gather3A_705, %max3A_708 : vector<16xf32>
      %max3A_710 = arith.constant 0.000000e+00 : f32
      %max3A_711 = vector.broadcast %max3A_710 : f32 to vector<16xf32>
      %max3A_712 = arith.maximumf %gather3A_706, %max3A_711 : vector<16xf32>
      %mul3A_713 = arith.mulf %max3A_709, %max3A_712 : vector<16xf32>
      %add3A_714 = arith.addf %add3A_702, %mul3A_713 : vector<16xf32>
      %broadcast_in_dim3A_715 = arith.constant 29 : i32
      %broadcast_in_dim3A_716 = vector.broadcast %broadcast_in_dim3A_715 : i32 to vector<16xi32>
      %gather3A_717 = tpu.vector_load_idx %arg12[%add3A_367, %broadcast_in_dim3A_716] : memref<512x32xf32, #tpu.memory_space<vmem>>[vector<16xi32>, vector<16xi32>], vector<16xf32>,
      %gather3A_718 = tpu.vector_load_idx %arg13[%add3A_367, %broadcast_in_dim3A_716] : memref<512x32xf32, #tpu.memory_space<vmem>>[vector<16xi32>, vector<16xi32>], vector<16xf32>,
      %max3A_719 = arith.constant 0.000000e+00 : f32
      %max3A_720 = vector.broadcast %max3A_719 : f32 to vector<16xf32>
      %max3A_721 = arith.maximumf %gather3A_717, %max3A_720 : vector<16xf32>
      %max3A_722 = arith.constant 0.000000e+00 : f32
      %max3A_723 = vector.broadcast %max3A_722 : f32 to vector<16xf32>
      %max3A_724 = arith.maximumf %gather3A_718, %max3A_723 : vector<16xf32>
      %mul3A_725 = arith.mulf %max3A_721, %max3A_724 : vector<16xf32>
      %add3A_726 = arith.addf %add3A_714, %mul3A_725 : vector<16xf32>
      %broadcast_in_dim3A_727 = arith.constant 30 : i32
      %broadcast_in_dim3A_728 = vector.broadcast %broadcast_in_dim3A_727 : i32 to vector<16xi32>
      %gather3A_729 = tpu.vector_load_idx %arg12[%add3A_367, %broadcast_in_dim3A_728] : memref<512x32xf32, #tpu.memory_space<vmem>>[vector<16xi32>, vector<16xi32>], vector<16xf32>,
      %gather3A_730 = tpu.vector_load_idx %arg13[%add3A_367, %broadcast_in_dim3A_728] : memref<512x32xf32, #tpu.memory_space<vmem>>[vector<16xi32>, vector<16xi32>], vector<16xf32>,
      %max3A_731 = arith.constant 0.000000e+00 : f32
      %max3A_732 = vector.broadcast %max3A_731 : f32 to vector<16xf32>
      %max3A_733 = arith.maximumf %gather3A_729, %max3A_732 : vector<16xf32>
      %max3A_734 = arith.constant 0.000000e+00 : f32
      %max3A_735 = vector.broadcast %max3A_734 : f32 to vector<16xf32>
      %max3A_736 = arith.maximumf %gather3A_730, %max3A_735 : vector<16xf32>
      %mul3A_737 = arith.mulf %max3A_733, %max3A_736 : vector<16xf32>
      %add3A_738 = arith.addf %add3A_726, %mul3A_737 : vector<16xf32>
      %broadcast_in_dim3A_739 = arith.constant 31 : i32
      %broadcast_in_dim3A_740 = vector.broadcast %broadcast_in_dim3A_739 : i32 to vector<16xi32>
      %gather3A_741 = tpu.vector_load_idx %arg12[%add3A_367, %broadcast_in_dim3A_740] : memref<512x32xf32, #tpu.memory_space<vmem>>[vector<16xi32>, vector<16xi32>], vector<16xf32>,
      %gather3A_742 = tpu.vector_load_idx %arg13[%add3A_367, %broadcast_in_dim3A_740] : memref<512x32xf32, #tpu.memory_space<vmem>>[vector<16xi32>, vector<16xi32>], vector<16xf32>,
      %max3A_743 = arith.constant 0.000000e+00 : f32
      %max3A_744 = vector.broadcast %max3A_743 : f32 to vector<16xf32>
      %max3A_745 = arith.maximumf %gather3A_741, %max3A_744 : vector<16xf32>
      %max3A_746 = arith.constant 0.000000e+00 : f32
      %max3A_747 = vector.broadcast %max3A_746 : f32 to vector<16xf32>
      %max3A_748 = arith.maximumf %gather3A_742, %max3A_747 : vector<16xf32>
      %mul3A_749 = arith.mulf %max3A_745, %max3A_748 : vector<16xf32>
      %add3A_750 = arith.addf %add3A_738, %mul3A_749 : vector<16xf32>
      %get3A_751 = arith.index_cast %mul3A_365 : i32 to index
      %get3A_752 = tpu.vector_load %arg14[%get3A_751] {strides = array<i32>} : memref<512xf32, #tpu.memory_space<vmem>>, vector<16xf32>,
      %add3A_753 = arith.addf %add3A_750, %get3A_752 : vector<16xf32>
      %get3A_754 = arith.index_cast %mul3A_365 : i32 to index
      %get3A_755 = tpu.vector_load %arg15[%get3A_754] {strides = array<i32>} : memref<512xf32, #tpu.memory_space<vmem>>, vector<16xf32>,
      %add3A_756 = arith.addf %add3A_753, %get3A_755 : vector<16xf32>
      %add3A_757 = arith.addf %add3A_756, %get3A_357 : vector<16xf32>
      %swap3A = arith.index_cast %mul3A_365 : i32 to index
      %swap3A_758 = tpu.vector_load %arg17[%swap3A] {strides = array<i32>} : memref<512xf32, #tpu.memory_space<vmem>>, vector<16xf32>,
      tpu.vector_store %arg17[%swap3A], %add3A_757 {strides = array<i32>} : memref<512xf32, #tpu.memory_space<vmem>>, vector<16xf32>,
    }
    %scan3A_362 = arith.constant 32 : i32
    "tpu.region"() ({
      %run_scoped3A = tpu.sem_alloc : memref<!tpu.dma_semaphore, #tpu.memory_space<semaphore_mem>>
      %dma_start3A_363 = tpu.memref_slice %arg9[%mul3A_2] : memref<16384xf32, #tpu.memory_space<hbm>> -> memref<512xf32, #tpu.memory_space<hbm>>
      %dma_start3A_364 = tpu.memref_slice %arg9[%mul3A_2] : memref<16384xf32, #tpu.memory_space<hbm>> -> memref<512xf32, #tpu.memory_space<hbm>>
      tpu.enqueue_dma source(%arg17 : memref<512xf32, #tpu.memory_space<vmem>>) target(%dma_start3A_364 : memref<512xf32, #tpu.memory_space<hbm>>) target_semaphore(%run_scoped3A : memref<!tpu.dma_semaphore, #tpu.memory_space<semaphore_mem>>)
      %dma_wait3A_365 = tpu.memref_slice %arg9[%mul3A_2] : memref<16384xf32, #tpu.memory_space<hbm>> -> memref<512xf32, #tpu.memory_space<hbm>>
      %dma_wait3A_366 = tpu.memref_slice %arg9[%mul3A_2] : memref<16384xf32, #tpu.memory_space<hbm>> -> memref<512xf32, #tpu.memory_space<hbm>>
      tpu.wait_dma2 semaphore(%run_scoped3A : memref<!tpu.dma_semaphore, #tpu.memory_space<semaphore_mem>>) src(%arg17 : memref<512xf32, #tpu.memory_space<vmem>>) dst(%dma_wait3A_366 : memref<512xf32, #tpu.memory_space<hbm>>)
      tpu.yield
    }) : () -> ()
    return
  }
}

</mosaic_0001>

<sc_bundles>
// kernel: kernel.3.cloned.1.call-start
scs
__scs_entry_jumppad:
0x0: {  	(pc) =	sbr.rel $0x88, $3  }
0x1: {  	(tag) =	ssettag $0x0;
	lr =	simm.s32 $0x1  }
0x2: {  	[smem:$0x3F9A] =	sst lr;
	_ =	strace $0xD0000000  }
0x3: {  	_ = 	snop  }
0x4: {  	_ = 	snop  }
0x5: {  	_ = 	snop  }
0x6: {  	_ = 	snop  }
0x7: {  	_ = 	snop  }
__scs_overlays_trampoline_lowered:
0x8: {  	[smem:$0x3FA9] =	sst s0  }
0x9: {  	[smem:$0x3FAA] =	sst s1  }
0xa: {  	[smem:$0x3FAB] =	sst s2  }
0xb: {  	[smem:$0x3FAC] =	sst s3  }
0xc: {  	[smem:$0x3FAD] =	sst s4  }
0xd: {  	[smem:$0x3FAE] =	sst s5  }
0xe: {  	[smem:$0x3FAF] =	sst s6  }
0xf: {  	[smem:$0x3FB0] =	sst s7  }
0x10: {  	[smem:$0x3FB1] =	sst s8  }
0x11: {  	[smem:$0x3FB2] =	sst s9;
	s0 =	simm.s32 @!p0 $0x0  }
0x12: {  	s1 =	sld [smem:$0x3F98];
	s0 =	simm.s32 @p0 $0x1  }
0x13: {  	[smem:$0x3FB3] =	sst s0;
	s0 =	simm.s32 @!p1 $0x0  }
0x14: {  	s2 =	sld [smem:$0x3F97];
	s0 =	simm.s32 @p1 $0x1  }
0x15: {  	[smem:$0x3FB4] =	sst s0;
	s0 =	simm.s32 @!p2 $0x0  }
0x16: {  	s3 =	sld [smem:$0x3FDB];
	s0 =	simm.s32 @p2 $0x1  }
0x17: {  	s4 =	simm.s32 $0x1BF5;
	[smem:$0x3FB6] =	sst s0  }
0x18: {  	s0 =	sld [smem:$0x3F99];
	_ =	swait.ge [sflag:s4], $0x0  }
0x19: {  	s7 =	sld [smem:$0x3F9A]  }
0x1a: {  	s8 =	sadd.s32 $0xFFFFE003, lr  }
0x1b: {  	s9 =	sadd.s32 $0xFFFFFEF7, lr;
	s5 =	simm.s32 $0xFFFFFFFF;
	p2 =	slt.u32 s8, $0xFFFFF086  }
0x1c: {  	p1 =	slt.u32 s9, $0xF7A;
	s5 =	simm.s32 @!p2 $0x0  }
0x1d: {  	s5 =	simm.s32 @p1 $0x1;
	p0 =	seq.s32 s7, s2  }
0x1e: {  	s7 =	smul.u32 @!p0 $0xF7A, s2;
	p2 =	seq.s32 @!p0 s5, $0x0  }
0x1f: {  	s9 =	smul.u32 $0xF7A, s1;
	s8 =	simm.s32 @!p0 $0x1BF5;
	p2 =	por !p2, p0  }
0x20: {  	[sflag:s8] =	ssyncset.s32 @!p0 $0xFFFFF086;
	s6 =	sadd.s32 @!p0 s3, s7;
	s7 =	simm.s32 @!p0 $0x108  }
0x21: {  	s3 =	sadd.s32 s3, s9;
	s6 =	sadd.s32 @!p0 $0x88, s6;
	s7 =	simm.s32 @p2 $0x1082  }
0x22: {  	[simem:s7], [sflag:s8] =	dma.local @!p0 [hbm:s6], $0xF7A  }
0x23: {  	s9 =	sor.u32 $0xD0000000, s2;
	s6 =	simm.s32 $0x108;
	_ =	swait.ge @!p0 [sflag:s8], $0x0  }
0x24: {  	s3 =	sadd.s32 $0x88, s3;
	s6 =	simm.s32 @!p1 $0x1082;
	[sflag:s4] =	ssyncset.s32 $0xFFFFF086  }
0x25: {  	[simem:s6], [sflag:s4] =	dma.local [hbm:s3], $0xF7A  }
0x26: {  	[smem:$0x3F9A] =	sst s1;
	(tag) =	ssettag s2;
	_ =	strace s9  }
0x27: {  	s1 =	sld [smem:$0x3FAA]  }
0x28: {  	s2 =	sld [smem:$0x3FAB]  }
0x29: {  	s4 =	sld [smem:$0x3FAD]  }
0x2a: {  	p0 =	seq.s32 s5, $0x0;
	s5 =	sld [smem:$0x3FAE]  }
0x2b: {  	s6 =	sld [smem:$0x3FAF]  }
0x2c: {  	s7 =	sld [smem:$0x3FB0]  }
0x2d: {  	s3 =	simm.s32 $0x108;
	s8 =	sld [smem:$0x3FB1]  }
0x2e: {  	s3 =	simm.s32 @!p0 $0x1082;
	s9 =	sld [smem:$0x3FB2]  }
0x2f: {  	lr =	sadd.s32 s0, s3;
	s0 =	sld [smem:$0x3FA9]  }
0x30: {  	s3 =	sld [smem:$0x3FAC]  }
0x31: {  	[smem:$0x3FB5] =	sst s10  }
0x32: {  	s10 =	sld [smem:$0x3FB3];
	_ =	sdelay $0x3  }
0x33: {  	p0 =	seq.s32 s10, $0x1;
	s10 =	sld [smem:$0x3FB5];
	_ =	sdelay $0x3  }
0x34: {  	[smem:$0x3FB5] =	sst s10  }
0x35: {  	s10 =	sld [smem:$0x3FB4];
	_ =	sdelay $0x3  }
0x36: {  	p1 =	seq.s32 s10, $0x1;
	s10 =	sld [smem:$0x3FB5];
	_ =	sdelay $0x3  }
0x37: {  	[smem:$0x3FB5] =	sst s10  }
0x38: {  	s10 =	sld [smem:$0x3FB6]  }
0x39: {  	_ = 	snop;
	(pc) =	sbr.ind lr, $3  }
0x3a: {  	_ = 	snop  }
0x3b: {  	_ = 	snop  }
0x3c: {  	p2 =	seq.s32 s10, $0x1;
	s10 =	sld [smem:$0x3FB5]  }
0x3d: {  	_ =	shalt  }
0x3e: {  	_ =	shalt  }
0x3f: {  	_ =	shalt  }
0x40: {  	_ =	shalt  }
0x41: {  	_ =	shalt  }
0x42: {  	_ =	shalt  }
0x43: {  	_ =	shalt  }
0x44: {  	_ =	shalt  }
0x45: {  	_ =	shalt  }
0x46: {  	_ =	shalt  }
0x47: {  	_ =	shalt  }
0x48: {  	_ =	shalt  }
0x49: {  	_ =	shalt  }
0x4a: {  	_ =	shalt  }
0x4b: {  	_ =	shalt  }
0x4c: {  	_ =	shalt  }
0x4d: {  	_ =	shalt  }
0x4e: {  	_ =	shalt  }
0x4f: {  	_ =	shalt  }
0x50: {  	_ =	shalt  }
0x51: {  	_ =	shalt  }
0x52: {  	_ =	shalt  }
0x53: {  	_ =	shalt  }
0x54: {  	_ =	shalt  }
0x55: {  	_ =	shalt  }
0x56: {  	_ =	shalt  }
0x57: {  	_ =	shalt  }
0x58: {  	_ =	shalt  }
0x59: {  	_ =	shalt  }
0x5a: {  	_ =	shalt  }
0x5b: {  	_ =	shalt  }
0x5c: {  	_ =	shalt  }
0x5d: {  	_ =	shalt  }
0x5e: {  	_ =	shalt  }
0x5f: {  	_ =	shalt  }
0x60: {  	_ =	shalt  }
0x61: {  	_ =	shalt  }
0x62: {  	_ =	shalt  }
0x63: {  	_ =	shalt  }
0x64: {  	_ =	shalt  }
0x65: {  	_ =	shalt  }
0x66: {  	_ =	shalt  }
0x67: {  	_ =	shalt  }
0x68: {  	_ =	shalt  }
0x69: {  	_ =	shalt  }
0x6a: {  	_ =	shalt  }
0x6b: {  	_ =	shalt  }
0x6c: {  	_ =	shalt  }
0x6d: {  	_ =	shalt  }
0x6e: {  	_ =	shalt  }
0x6f: {  	_ =	shalt  }
0x70: {  	_ =	shalt  }
0x71: {  	_ =	shalt  }
0x72: {  	_ =	shalt  }
0x73: {  	_ =	shalt  }
0x74: {  	_ =	shalt  }
0x75: {  	_ =	shalt  }
0x76: {  	_ =	shalt  }
0x77: {  	_ =	shalt  }
0x78: {  	_ =	shalt  }
0x79: {  	_ =	shalt  }
0x7a: {  	_ =	shalt  }
0x7b: {  	_ =	shalt  }
0x7c: {  	_ =	shalt  }
0x7d: {  	_ =	shalt  }
0x7e: {  	_ =	shalt  }
0x7f: {  	_ =	shalt  }
0x80: {  	_ =	shalt  }
0x81: {  	_ =	shalt  }
0x82: {  	_ =	shalt  }
0x83: {  	_ =	shalt  }
0x84: {  	_ =	shalt  }
0x85: {  	_ =	shalt  }
0x86: {  	_ =	shalt  }
0x87: {  	_ =	shalt  }
.Lfunc_end0:
.L_simem_size_0:
called_computation_lowered:
.L_overlay_start_0:
0x88: {  	s2 =	sld [smem:$0x3FD9]  }
0x89: {  	s3 =	sld [smem:$0x3FFE];
	_ =	sdelay $0x1  }
0x8a: {  	s1 =	srdreg.scid  }
0x8b: {  	s0 =	sand.u32 $0x1, s1  }
0x8c: {  	s17 =	sshll.u32 s0, $0xA;
	s2 =	sadd.s32 s3, s2  }
0x8d: {  	s2 =	sadd.s32 s2, s17  }
0x8e: {  	[smem:$0x3FC1] =	sst s2  }
0x8f: {  	_ = 	snop  }
0x90: {  	s2 =	sld [smem:$0x3FC9]  }
0x91: {  	s18 =	sld [smem:$0x3FC8]  }
0x92: {  	s4 =	sld [smem:$0x3FD0];
	(tm) =	ssettm $0x1  }
0x93: {  	s5 =	sld [smem:$0x3FFB];
	_ =	sdelay $0x3  }
0x94: {  	_ =	strace s5  }
0x95: {  	s5 =	sld [smem:$0x3FFC];
	_ =	sdelay $0x3  }
0x96: {  	_ =	strace s5  }
0x97: {  	s5 =	sld [smem:$0x3FFD];
	_ =	sdelay $0x3  }
0x98: {  	_ =	strace s5  }
0x99: {  	_ =	strace $0x8FFFFFFF  }
0x9a: {  	s19 =	sld [smem:$0x3FDB];
	_ =	sdelay $0x1  }
0x9b: {  	s6 =	simm.s32 $_scs_section_size  }
0x9c: {  	s7 =	simm.s32 $_size__tile_overlayer_lowered;
	s8 =	simm.s32 $_tile_overlayer_lowered  }
0x9d: {  	s22 =	simm.s32 $0x1BFF;
	s21 =	sshll.u32 s8, $0x1;
	s5 =	sadd.s32 s6, s19  }
0x9e: {  	s9 =	simm.s32 $0x0;
	s20 =	sshll.u32 s7, $0x1;
	s7 =	sadd.s32 s21, s5  }
0x9f: {  	[timem:s9], [sflag:s22] =	dma.local [hbm:s7], s20  }
0xa0: {  	_ =	swait.ge [sflag:s22], s20  }
0xa1: {  	s6 =	ssub.s32 $0x0, s20;
	[sflag:s22] =	ssyncset.done $0x0  }
0xa2: {  	[sflag:s22] =	ssyncadd.s32 s6;
	_ =	sdelay $0x1  }
0xa3: {  	s23 =	simm.s32 $0x1B8B  }
0xa4: {  	_ =	swait.ge [sflag:s23], $0x1  }
0xa5: {  	[sflag:s23] =	ssyncset.done $0x0  }
0xa6: {  	s25 =	simm.s32 $0x1B8E;
	s24 =	sld [smem:$0x3FFE];
	[sflag:s23] =	ssyncadd.s32 $0xFFFFFFFF  }
0xa7: {  	s26 =	simm.s32 $execute0_lowered;
	[smem:$0x3FD2] =	sst s25  }
0xa8: {  	s7 =	sshll.u32 s26, $0x1;
	_ =	strace $0x80000046;
	[dreg:$0x1] =	wrdreg $0xFFFFFFFF  }
0xa9: {  	s28 =	simm.s32 $_size_execute0_lowered;
	s5 =	sadd.s32 s5, s7;
	[dreg:$0x0] =	wrdreg $0x0  }
0xaa: {  	s7 =	sshll.u32 s28, $0x1;
	[dreg:$0x2] =	wrdreg s5  }
0xab: {  	[dreg:$0x3] =	wrdreg s7  }
0xac: {  	[dreg:$0x4] =	wrdreg $0xC0  }
0xad: {  	_ =	task [dreg:s9], $0x5FFFF  }
0xae: {  	[dreg:$0x1] =	wrdreg $0xFFFFFFFF  }
0xaf: {  	[dreg:$0x0] =	wrdreg $0x60  }
0xb0: {  	[dreg:$0x2] =	wrdreg s2  }
0xb1: {  	[dreg:$0x3] =	wrdreg s18  }
0xb2: {  	[dreg:$0x4] =	wrdreg s24  }
0xb3: {  	[dreg:$0x5] =	wrdreg s4  }
0xb4: {  	[dreg:$0x6] =	wrdreg $0x9  }
0xb5: {  	_ =	task.clear_ibuf [dreg:s9], $0x7FFFF;
	_ =	strace $0x90000046  }
0xb6: {  	s29 =	simm.s32 $0x9;
	_ =	strace $0x80000048  }
0xb7: {  	_ =	swait.ge [sflag:s29], $0x1  }
0xb8: {  	[sflag:s29] =	ssyncadd.s32 $0xFFFFFFFF  }
0xb9: {  	_ =	strace $0x90000048  }
0xba: {  	_ =	sfence  }
0xbb: {  	s30 =	sld [smem:$0x0];
	_ =	sdelay $0x2  }
0xbc: {  	s31 =	sshll.u32 s1, $0xD;
	s1 =	sshrl.u32 s1, $0x2  }
0xbd: {  	s3 =	sand.u32 $0x4000, s31;
	s1 =	sadd.s32 s1, s30  }
0xbe: {  	s0 =	sor.u32 s3, s0;
	s1 =	sshll.u32 s1, $0x11  }
0xbf: {  	s0 =	sor.u32 s1, s0  }
0xc0: {  	s0 =	sadd.s32 $0x8F2B, s0  }
0xc1: {  	[sflag:s0] =	ssyncadd.remote.s32 $0x1  }
0xc2: {  	_ =	sfence.sel $0xFFFF  }
0xc3: {  	[dreg:$0x0] =	wrdreg $0xFFFFFFFF;
	(pc) =	sbr.abs _section_cstart, $3  }
0xc4: {  	[dreg:$0x1] =	wrdreg $0xFFFFFFFF  }
0xc5: {  	_ =	task.clear_ibuf [dreg:s9], $0x2FFFF;
	_ =	strace $0x9FFFFFFF  }
0xc6: {  	(tm) =	ssettm $0x7FFFFFFF  }
0xc7: {  	_ =	shalt  }
tec
execute0_lowered:
.L_overlay_start_1:
0x0: {  	(tag) =	ssettag $0x1  }
0x1: {  	s0 =	rddreg [dreg:$0x0]  }
0x2: {  	s3 =	rddreg [dreg:$0x1]  }
0x3: {  	s1 =	rddreg [dreg:$0x2]  }
0x4: {  	s10 =	rddreg [dreg:$0x3];
	s2 =	simm.s32 $0x0  }
0x5: {  	s6 =	srdreg.scid;
	s11 =	stileid.u32;
	s15 =	simm.s32 $0x80  }
0x6: {  	s16 =	simm.s32 $0x400;
	s17 =	simm.s32 $0x4400;
	s19 =	simm.s32 $0x280  }
0x7: {  	s23 =	simm.s32 $0x100;
	s25 =	simm.s32 $0x300;
	s30 =	simm.s32 $0x180  }
0x8: {  	s31 =	simm.s32 $0x3400;
	s14 =	simm.s32 $0x8580;
	s18 =	simm.s32 $0x8780  }
0x9: {  	s20 =	simm.s32 $0x1;
	s21 =	simm.s32 $0x8810;
	s22 =	simm.s32 $0x0  }
0xa: {  	[smem:$0x7FF] =	sst s2;
	s4 =	sadd.s32 $0x1313000, s1;
	s5 =	sadd.s32 $0xF42600, s1  }
0xb: {  	s7 =	sand.u32 $0x1, s6;
	s6 =	sadd.s32 $0x1EA00, s1;
	s11 =	sshll.u32 s11, $0x7  }
0xc: {  	_ =	strace $0x80000047;
	s8 =	ssub.s32 $0x2, s7;
	s12 =	sshll.u32 s7, $0x6  }
0xd: {  	s7 =	sadd.s32 $0x3D400, s1;
	s9 =	sshrl.u32 s8, $0x1;
	s11 =	sor.u32 s12, s11  }
0xe: {  	v0 =	vlaneseq.u32;
	s12 =	simm.s32 $0x2;
	s13 =	ssub.s32 s8, s9;
	s8 =	sadd.s32 s0, s11  }
0xf: {  	v0 =	vmul.u32 $0x20, v0;
	s9 =	sadd.s32 s3, s11;
	s10 =	sadd.s32 s10, s11;
	s0 =	simm.s32 $0x380  }
0x10: {  	s3 =	simm.s32 $0x7400;
	s11 =	smax.u32 s13, $0x1;
	s13 =	simm.s32 $0x200  }
.LBB2_1:
0x11: {  	[tilespmem:s2], [sflag:$0x2] =	stream.linear.gather [hbm4b:s8+s2], $0x200, $0x38;
	[tilespmem:$0x8A10] =	vst v63  }
0x12: {  	_ =	swait.ge [sflag:s12], $0x200  }
0x13: {  	[sflag:s12] =	ssyncset.done $0x0  }
0x14: {  	[sflag:s12] =	ssyncadd.s32 $0xFFFFFE00  }
0x15: {  	[tilespmem:s13], [sflag:$0x2] =	stream.linear.gather [hbm4b:s9+s2], $0x200, $0x38;
	[tilespmem:$0x8A10] =	vst v63  }
0x16: {  	_ =	swait.ge [sflag:s12], $0x200  }
0x17: {  	[sflag:s12] =	ssyncset.done $0x0  }
0x18: {  	s24 =	simm.s32 $0x8800;
	[sflag:s12] =	ssyncadd.s32 $0xFFFFFE00  }
0x19: {  	[tilespmem:s24], [sflag:$0x2] =	stream.linear.gather [hbm4b:s7+s2], $0x10, $0x38;
	[tilespmem:$0x8A10] =	vst v63  }
0x1a: {  	_ =	swait.ge [sflag:s12], $0x10  }
0x1b: {  	[sflag:s12] =	ssyncset.done $0x0  }
0x1c: {  	[sflag:s12] =	ssyncadd.s32 $0xFFFFFFF0  }
0x1d: {  	[tilespmem:s16], [sflag:$0x1] =	stream.indirect.gather [hbm4b:s4+s15], $0x20, s2, s15, $0xb8;
	[tilespmem:$0x8A10] =	vst v63  }
0x1e: {  	_ = 	snop  }
0x1f: {  	[tilespmem:s17], [sflag:$0x1] =	stream.indirect.gather [hbm4b:s5+s15], $0x20, s13, s15, $0xb8;
	[tilespmem:$0x8A10] =	vst v63  }
0x20: {  	s26 =	simm.s32 $0x8400  }
0x21: {  	[tilespmem:s26], [sflag:$0x1] =	stream.indirect.gather [hbm4b:s6+s15], $0x1, s2, s15, $0xb8;
	[tilespmem:$0x8A10] =	vst v63  }
0x22: {  	s24 =	simm.s32 $0x8600  }
0x23: {  	[tilespmem:s24], [sflag:$0x1] =	stream.indirect.gather [hbm4b:s1+s15], $0x1, s13, s15, $0xb8;
	[tilespmem:$0x8A10] =	vst v63  }
0x24: {  	s28 =	simm.s32 $0x1400  }
0x25: {  	[tilespmem:s28], [sflag:$0x1] =	stream.indirect.gather [hbm4b:s4+s15], $0x20, s15, s15, $0xb8;
	[tilespmem:$0x8A10] =	vst v63  }
0x26: {  	s28 =	simm.s32 $0x5400  }
0x27: {  	[tilespmem:s28], [sflag:$0x1] =	stream.indirect.gather [hbm4b:s5+s15], $0x20, s19, s15, $0xb8;
	[tilespmem:$0x8A10] =	vst v63  }
0x28: {  	s28 =	simm.s32 $0x8480  }
0x29: {  	[tilespmem:s28], [sflag:$0x1] =	stream.indirect.gather [hbm4b:s6+s15], $0x1, s15, s15, $0xb8;
	[tilespmem:$0x8A10] =	vst v63  }
0x2a: {  	s28 =	simm.s32 $0x8680  }
0x2b: {  	[tilespmem:s28], [sflag:$0x1] =	stream.indirect.gather [hbm4b:s1+s15], $0x1, s19, s15, $0xb8;
	[tilespmem:$0x8A10] =	vst v63  }
0x2c: {  	s28 =	simm.s32 $0x2400  }
0x2d: {  	[tilespmem:s28], [sflag:$0x1] =	stream.indirect.gather [hbm4b:s4+s15], $0x20, s23, s15, $0xb8;
	[tilespmem:$0x8A10] =	vst v63  }
0x2e: {  	s28 =	simm.s32 $0x6400  }
0x2f: {  	[tilespmem:s28], [sflag:$0x1] =	stream.indirect.gather [hbm4b:s5+s15], $0x20, s25, s15, $0xb8;
	[tilespmem:$0x8A10] =	vst v63  }
0x30: {  	s28 =	simm.s32 $0x8500  }
0x31: {  	[tilespmem:s28], [sflag:$0x1] =	stream.indirect.gather [hbm4b:s6+s15], $0x1, s23, s15, $0xb8;
	[tilespmem:$0x8A10] =	vst v63  }
0x32: {  	s28 =	simm.s32 $0x8700  }
0x33: {  	[tilespmem:s28], [sflag:$0x1] =	stream.indirect.gather [hbm4b:s1+s15], $0x1, s25, s15, $0xb8;
	[tilespmem:$0x8A10] =	vst v63  }
0x34: {  	_ = 	snop  }
0x35: {  	[tilespmem:s31], [sflag:$0x1] =	stream.indirect.gather [hbm4b:s4+s15], $0x20, s30, s15, $0xb8;
	[tilespmem:$0x8A10] =	vst v63  }
0x36: {  	_ = 	snop  }
0x37: {  	[tilespmem:s3], [sflag:$0x1] =	stream.indirect.gather [hbm4b:s5+s15], $0x20, s0, s15, $0xb8;
	[tilespmem:$0x8A10] =	vst v63  }
0x38: {  	_ = 	snop  }
0x39: {  	[tilespmem:s14], [sflag:$0x1] =	stream.indirect.gather [hbm4b:s6+s15], $0x1, s30, s15, $0xb8;
	[tilespmem:$0x8A10] =	vst v63  }
0x3a: {  	_ = 	snop  }
0x3b: {  	[tilespmem:s18], [sflag:$0x1] =	stream.indirect.gather [hbm4b:s1+s15], $0x1, s0, s15, $0xb8;
	[tilespmem:$0x8A10] =	vst v63  }
0x3c: {  	_ =	swait.ge [sflag:s20], $0x1000  }
0x3d: {  	[sflag:s20] =	ssyncset.done $0x0  }
0x3e: {  	[sflag:s20] =	ssyncadd.s32 $0xFFFFF000  }
0x3f: {  	_ =	swait.ge [sflag:s20], $0x1000  }
0x40: {  	[sflag:s20] =	ssyncset.done $0x0  }
0x41: {  	[sflag:s20] =	ssyncadd.s32 $0xFFFFF000  }
0x42: {  	_ =	swait.ge [sflag:s20], $0x80  }
0x43: {  	[sflag:s20] =	ssyncset.done $0x0  }
0x44: {  	[sflag:s20] =	ssyncadd.s32 $0xFFFFFF80  }
0x45: {  	_ =	swait.ge [sflag:s20], $0x80  }
0x46: {  	[sflag:s20] =	ssyncset.done $0x0  }
0x47: {  	[sflag:s20] =	ssyncadd.s32 $0xFFFFFF80  }
0x48: {  	_ =	swait.ge [sflag:s20], $0x1000  }
0x49: {  	[sflag:s20] =	ssyncset.done $0x0  }
0x4a: {  	[sflag:s20] =	ssyncadd.s32 $0xFFFFF000  }
0x4b: {  	_ =	swait.ge [sflag:s20], $0x1000  }
0x4c: {  	[sflag:s20] =	ssyncset.done $0x0  }
0x4d: {  	[sflag:s20] =	ssyncadd.s32 $0xFFFFF000  }
0x4e: {  	_ =	swait.ge [sflag:s20], $0x80  }
0x4f: {  	[sflag:s20] =	ssyncset.done $0x0  }
0x50: {  	[sflag:s20] =	ssyncadd.s32 $0xFFFFFF80  }
0x51: {  	_ =	swait.ge [sflag:s20], $0x80  }
0x52: {  	[sflag:s20] =	ssyncset.done $0x0  }
0x53: {  	[sflag:s20] =	ssyncadd.s32 $0xFFFFFF80  }
0x54: {  	_ =	swait.ge [sflag:s20], $0x1000  }
0x55: {  	[sflag:s20] =	ssyncset.done $0x0  }
0x56: {  	[sflag:s20] =	ssyncadd.s32 $0xFFFFF000  }
0x57: {  	_ =	swait.ge [sflag:s20], $0x1000  }
0x58: {  	[sflag:s20] =	ssyncset.done $0x0  }
0x59: {  	[sflag:s20] =	ssyncadd.s32 $0xFFFFF000  }
0x5a: {  	_ =	swait.ge [sflag:s20], $0x80  }
0x5b: {  	[sflag:s20] =	ssyncset.done $0x0  }
0x5c: {  	[sflag:s20] =	ssyncadd.s32 $0xFFFFFF80  }
0x5d: {  	_ =	swait.ge [sflag:s20], $0x80  }
0x5e: {  	[sflag:s20] =	ssyncset.done $0x0  }
0x5f: {  	[sflag:s20] =	ssyncadd.s32 $0xFFFFFF80  }
0x60: {  	_ =	swait.ge [sflag:s20], $0x1000  }
0x61: {  	[sflag:s20] =	ssyncset.done $0x0  }
0x62: {  	[sflag:s20] =	ssyncadd.s32 $0xFFFFF000  }
0x63: {  	_ =	swait.ge [sflag:s20], $0x1000  }
0x64: {  	[sflag:s20] =	ssyncset.done $0x0  }
0x65: {  	v1 =	vmov s2;
	[sflag:s20] =	ssyncadd.s32 $0xFFFFF000  }
0x66: {  	v1 =	vshll.u32 v1, $0x5;
	_ =	swait.ge [sflag:s20], $0x80  }
0x67: {  	v1 =	vor.u32 v0, v1;
	[sflag:s20] =	ssyncset.done $0x0  }
0x68: {  	[sflag:s20] =	ssyncadd.s32 $0xFFFFFF80  }
0x69: {  	v2 =	vor.u32 $0x1, v1;
	_ =	swait.ge [sflag:s20], $0x80  }
0x6a: {  	[sflag:s20] =	ssyncset.done $0x0  }
0x6b: {  	v3 =	vor.u32 $0x2, v1;
	[sflag:s20] =	ssyncadd.s32 $0xFFFFFF80  }
0x6c: {  	v4 =	vld.idx.msk [tilespmem:v1+s16+$0x0], $0xffff  }
0x6d: {  	v6 =	vor.u32 $0x3, v1;
	v5 =	vld.idx.msk [tilespmem:v1+s17+$0x0], $0xffff  }
0x6e: {  	v7 =	vld.idx.msk [tilespmem:v2+s16+$0x0], $0xffff  }
0x6f: {  	v8 =	vor.u32 $0x4, v1;
	v2 =	vld.idx.msk [tilespmem:v2+s17+$0x0], $0xffff  }
0x70: {  	v9 =	vld.idx.msk [tilespmem:v3+s16+$0x0], $0xffff  }
0x71: {  	v10 =	vor.u32 $0x5, v1;
	v3 =	vld.idx.msk [tilespmem:v3+s17+$0x0], $0xffff  }
0x72: {  	v11 =	vld.idx.msk [tilespmem:v6+s16+$0x0], $0xffff;
	v4 =	vmax.f32 v4, $0.0e+00;
	v5 =	vmax.f32 v5, $0.0e+00  }
0x73: {  	v12 =	vor.u32 $0x6, v1;
	v6 =	vld.idx.msk [tilespmem:v6+s17+$0x0], $0xffff;
	v4 =	vmul.f32 v5, v4  }
0x74: {  	v7 =	vmax.f32 v7, $0.0e+00;
	v2 =	vmax.f32 v2, $0.0e+00;
	v5 =	vld.idx.msk [tilespmem:v8+s16+$0x0], $0xffff  }
0x75: {  	v13 =	vor.u32 $0x7, v1;
	v8 =	vld.idx.msk [tilespmem:v8+s17+$0x0], $0xffff;
	v2 =	vmul.f32 v2, v7;
	v4 =	vadd.f32 $0.0e+00, v4  }
0x76: {  	v9 =	vmax.f32 v9, $0.0e+00;
	v3 =	vmax.f32 v3, $0.0e+00;
	v7 =	vld.idx.msk [tilespmem:v10+s16+$0x0], $0xffff  }
0x77: {  	v14 =	vor.u32 $0x8, v1;
	v10 =	vld.idx.msk [tilespmem:v10+s17+$0x0], $0xffff;
	v3 =	vmul.f32 v3, v9;
	v2 =	vadd.f32 v2, v4  }
0x78: {  	v48 =	vld.idx.msk [tilespmem:v12+s17+$0x0], $0xffff;
	v47 =	vmax.f32 v11, $0.0e+00;
	v6 =	vmax.f32 v6, $0.0e+00  }
0x79: {  	v49 =	vor.u32 $0x9, v1;
	v4 =	vld.idx.msk [tilespmem:v12+s16+$0x0], $0xffff;
	v2 =	vadd.f32 v3, v2;
	v3 =	vmul.f32 v6, v47  }
0x7a: {  	v50 =	vld.idx.msk [tilespmem:v13+s17+$0x0], $0xffff;
	v5 =	vmax.f32 v5, $0.0e+00;
	v8 =	vmax.f32 v8, $0.0e+00  }
0x7b: {  	v51 =	vor.u32 $0xA, v1;
	v6 =	vld.idx.msk [tilespmem:v13+s16+$0x0], $0xffff;
	v2 =	vadd.f32 v3, v2;
	v3 =	vmul.f32 v8, v5  }
0x7c: {  	v53 =	vld.idx.msk [tilespmem:v14+s17+$0x0], $0xffff;
	v7 =	vmax.f32 v7, $0.0e+00;
	v52 =	vmax.f32 v10, $0.0e+00  }
0x7d: {  	v54 =	vor.u32 $0xB, v1;
	v5 =	vld.idx.msk [tilespmem:v14+s16+$0x0], $0xffff;
	v2 =	vadd.f32 v3, v2;
	v3 =	vmul.f32 v52, v7  }
0x7e: {  	v56 =	vld.idx.msk [tilespmem:v49+s17+$0x0], $0xffff;
	v55 =	vmax.f32 v48, $0.0e+00;
	v4 =	vmax.f32 v4, $0.0e+00  }
0x7f: {  	v57 =	vor.u32 $0xC, v1;
	v7 =	vld.idx.msk [tilespmem:v49+s16+$0x0], $0xffff;
	v2 =	vadd.f32 v3, v2;
	v3 =	vmul.f32 v55, v4  }
0x80: {  	v59 =	vld.idx.msk [tilespmem:v51+s17+$0x0], $0xffff;
	v58 =	vmax.f32 v50, $0.0e+00;
	v6 =	vmax.f32 v6, $0.0e+00  }
0x81: {  	v60 =	vor.u32 $0xD, v1;
	v4 =	vld.idx.msk [tilespmem:v51+s16+$0x0], $0xffff;
	v2 =	vadd.f32 v3, v2;
	v3 =	vmul.f32 v58, v6  }
0x82: {  	v62 =	vld.idx.msk [tilespmem:v54+s17+$0x0], $0xffff;
	v61 =	vmax.f32 v53, $0.0e+00;
	v5 =	vmax.f32 v5, $0.0e+00  }
0x83: {  	v63 =	vor.u32 $0xE, v1;
	v6 =	vld.idx.msk [tilespmem:v54+s16+$0x0], $0xffff;
	v2 =	vadd.f32 v3, v2;
	v3 =	vmul.f32 v61, v5  }
0x84: {  	v17 =	vld.idx.msk [tilespmem:v57+s17+$0x0], $0xffff;
	v16 =	vmax.f32 v56, $0.0e+00;
	v7 =	vmax.f32 v7, $0.0e+00  }
0x85: {  	v18 =	vor.u32 $0xF, v1;
	v5 =	vld.idx.msk [tilespmem:v57+s16+$0x0], $0xffff;
	v2 =	vadd.f32 v3, v2;
	v3 =	vmul.f32 v16, v7  }
0x86: {  	v20 =	vld.idx.msk [tilespmem:v60+s17+$0x0], $0xffff;
	v19 =	vmax.f32 v59, $0.0e+00;
	v4 =	vmax.f32 v4, $0.0e+00  }
0x87: {  	v21 =	vor.u32 $0x10, v1;
	v7 =	vld.idx.msk [tilespmem:v60+s16+$0x0], $0xffff;
	v2 =	vadd.f32 v3, v2;
	v3 =	vmul.f32 v19, v4  }
0x88: {  	v23 =	vld.idx.msk [tilespmem:v63+s17+$0x0], $0xffff;
	v22 =	vmax.f32 v62, $0.0e+00;
	v6 =	vmax.f32 v6, $0.0e+00  }
0x89: {  	v24 =	vor.u32 $0x11, v1;
	v4 =	vld.idx.msk [tilespmem:v63+s16+$0x0], $0xffff;
	v2 =	vadd.f32 v3, v2;
	v3 =	vmul.f32 v22, v6  }
0x8a: {  	v26 =	vld.idx.msk [tilespmem:v18+s17+$0x0], $0xffff;
	v25 =	vmax.f32 v17, $0.0e+00;
	v5 =	vmax.f32 v5, $0.0e+00  }
0x8b: {  	v27 =	vor.u32 $0x12, v1;
	v6 =	vld.idx.msk [tilespmem:v18+s16+$0x0], $0xffff;
	v2 =	vadd.f32 v3, v2;
	v3 =	vmul.f32 v25, v5  }
0x8c: {  	v29 =	vld.idx.msk [tilespmem:v21+s17+$0x0], $0xffff;
	v28 =	vmax.f32 v20, $0.0e+00;
	v7 =	vmax.f32 v7, $0.0e+00  }
0x8d: {  	v30 =	vor.u32 $0x13, v1;
	v5 =	vld.idx.msk [tilespmem:v21+s16+$0x0], $0xffff;
	v2 =	vadd.f32 v3, v2;
	v3 =	vmul.f32 v28, v7  }
0x8e: {  	v32 =	vld.idx.msk [tilespmem:v24+s17+$0x0], $0xffff;
	v31 =	vmax.f32 v23, $0.0e+00;
	v4 =	vmax.f32 v4, $0.0e+00  }
0x8f: {  	v33 =	vor.u32 $0x14, v1;
	v7 =	vld.idx.msk [tilespmem:v24+s16+$0x0], $0xffff;
	v2 =	vadd.f32 v3, v2;
	v3 =	vmul.f32 v31, v4  }
0x90: {  	v35 =	vld.idx.msk [tilespmem:v27+s17+$0x0], $0xffff;
	v34 =	vmax.f32 v26, $0.0e+00;
	v6 =	vmax.f32 v6, $0.0e+00  }
0x91: {  	v36 =	vor.u32 $0x15, v1;
	v4 =	vld.idx.msk [tilespmem:v27+s16+$0x0], $0xffff;
	v2 =	vadd.f32 v3, v2;
	v3 =	vmul.f32 v34, v6  }
0x92: {  	v38 =	vld.idx.msk [tilespmem:v30+s17+$0x0], $0xffff;
	v37 =	vmax.f32 v29, $0.0e+00;
	v5 =	vmax.f32 v5, $0.0e+00  }
0x93: {  	v39 =	vor.u32 $0x16, v1;
	v6 =	vld.idx.msk [tilespmem:v30+s16+$0x0], $0xffff;
	v2 =	vadd.f32 v3, v2;
	v3 =	vmul.f32 v37, v5  }
0x94: {  	v41 =	vld.idx.msk [tilespmem:v33+s17+$0x0], $0xffff;
	v40 =	vmax.f32 v32, $0.0e+00;
	v7 =	vmax.f32 v7, $0.0e+00  }
0x95: {  	v42 =	vor.u32 $0x17, v1;
	v5 =	vld.idx.msk [tilespmem:v33+s16+$0x0], $0xffff;
	v2 =	vadd.f32 v3, v2;
	v3 =	vmul.f32 v40, v7  }
0x96: {  	v44 =	vld.idx.msk [tilespmem:v36+s17+$0x0], $0xffff;
	v43 =	vmax.f32 v35, $0.0e+00;
	v4 =	vmax.f32 v4, $0.0e+00  }
0x97: {  	v45 =	vor.u32 $0x18, v1;
	v7 =	vld.idx.msk [tilespmem:v36+s16+$0x0], $0xffff;
	v2 =	vadd.f32 v3, v2;
	v3 =	vmul.f32 v43, v4  }
0x98: {  	v46 =	vmax.f32 v38, $0.0e+00;
	v47 =	vld.idx.msk [tilespmem:v39+s17+$0x0], $0xffff;
	v6 =	vmax.f32 v6, $0.0e+00  }
0x99: {  	v48 =	vor.u32 $0x19, v1;
	v4 =	vld.idx.msk [tilespmem:v39+s16+$0x0], $0xffff;
	v2 =	vadd.f32 v3, v2;
	v3 =	vmul.f32 v46, v6  }
0x9a: {  	v50 =	vld.idx.msk [tilespmem:v42+s17+$0x0], $0xffff;
	v49 =	vmax.f32 v41, $0.0e+00;
	v5 =	vmax.f32 v5, $0.0e+00  }
0x9b: {  	v51 =	vor.u32 $0x1A, v1;
	v6 =	vld.idx.msk [tilespmem:v42+s16+$0x0], $0xffff;
	v2 =	vadd.f32 v3, v2;
	v3 =	vmul.f32 v49, v5  }
0x9c: {  	v53 =	vld.idx.msk [tilespmem:v45+s17+$0x0], $0xffff;
	v52 =	vmax.f32 v44, $0.0e+00;
	v7 =	vmax.f32 v7, $0.0e+00  }
0x9d: {  	v54 =	vor.u32 $0x1B, v1;
	v5 =	vld.idx.msk [tilespmem:v45+s16+$0x0], $0xffff;
	v2 =	vadd.f32 v3, v2;
	v3 =	vmul.f32 v52, v7  }
0x9e: {  	v56 =	vld.idx.msk [tilespmem:v48+s17+$0x0], $0xffff;
	v55 =	vmax.f32 v47, $0.0e+00;
	v4 =	vmax.f32 v4, $0.0e+00  }
0x9f: {  	v57 =	vor.u32 $0x1C, v1;
	v7 =	vld.idx.msk [tilespmem:v48+s16+$0x0], $0xffff;
	v2 =	vadd.f32 v3, v2;
	v3 =	vmul.f32 v55, v4  }
0xa0: {  	v58 =	vmax.f32 v50, $0.0e+00;
	v59 =	vld.idx.msk [tilespmem:v51+s17+$0x0], $0xffff;
	v6 =	vmax.f32 v6, $0.0e+00  }
0xa1: {  	v60 =	vor.u32 $0x1D, v1;
	v4 =	vld.idx.msk [tilespmem:v51+s16+$0x0], $0xffff;
	v2 =	vadd.f32 v3, v2;
	v3 =	vmul.f32 v58, v6  }
0xa2: {  	v61 =	vmax.f32 v53, $0.0e+00;
	v62 =	vld.idx.msk [tilespmem:v54+s17+$0x0], $0xffff;
	v5 =	vmax.f32 v5, $0.0e+00  }
0xa3: {  	v63 =	vor.u32 $0x1E, v1;
	v6 =	vld.idx.msk [tilespmem:v54+s16+$0x0], $0xffff;
	v2 =	vadd.f32 v3, v2;
	v3 =	vmul.f32 v61, v5  }
0xa4: {  	v16 =	vmax.f32 v56, $0.0e+00;
	v17 =	vld.idx.msk [tilespmem:v57+s17+$0x0], $0xffff;
	v7 =	vmax.f32 v7, $0.0e+00  }
0xa5: {  	v1 =	vor.u32 $0x1F, v1;
	v5 =	vld.idx.msk [tilespmem:v57+s16+$0x0], $0xffff;
	v2 =	vadd.f32 v3, v2;
	v3 =	vmul.f32 v16, v7  }
0xa6: {  	v18 =	vmax.f32 v59, $0.0e+00;
	v19 =	vld.idx.msk [tilespmem:v60+s17+$0x0], $0xffff;
	v4 =	vmax.f32 v4, $0.0e+00  }
0xa7: {  	v7 =	vld.idx.msk [tilespmem:v60+s16+$0x0], $0xffff;
	v2 =	vadd.f32 v3, v2;
	v3 =	vmul.f32 v18, v4  }
0xa8: {  	v20 =	vmax.f32 v62, $0.0e+00;
	v21 =	vld.idx.msk [tilespmem:v63+s17+$0x0], $0xffff;
	v6 =	vmax.f32 v6, $0.0e+00  }
0xa9: {  	v4 =	vld.idx.msk [tilespmem:v63+s16+$0x0], $0xffff;
	v2 =	vadd.f32 v3, v2;
	v3 =	vmul.f32 v20, v6  }
0xaa: {  	v22 =	vmax.f32 v17, $0.0e+00;
	v5 =	vmax.f32 v5, $0.0e+00;
	v6 =	vld.idx.msk [tilespmem:v1+s16+$0x0], $0xffff  }
0xab: {  	v1 =	vld.idx.msk [tilespmem:v1+s17+$0x0], $0xffff;
	v2 =	vadd.f32 v3, v2;
	v3 =	vmul.f32 v22, v5  }
0xac: {  	v5 =	vmax.f32 v7, $0.0e+00;
	v7 =	vmax.f32 v19, $0.0e+00  }
0xad: {  	v2 =	vadd.f32 v3, v2;
	v3 =	vmul.f32 v7, v5  }
0xae: {  	v4 =	vmax.f32 v4, $0.0e+00;
	v5 =	vmax.f32 v21, $0.0e+00  }
0xaf: {  	v2 =	vadd.f32 v3, v2;
	v3 =	vmul.f32 v5, v4  }
0xb0: {  	v1 =	vmax.f32 v1, $0.0e+00;
	v4 =	vmax.f32 v6, $0.0e+00;
	v5 =	vld [tilespmem:s26+$0x0]  }
0xb1: {  	v1 =	vmul.f32 v1, v4;
	v2 =	vadd.f32 v3, v2  }
0xb2: {  	v3 =	vld [tilespmem:s24+$0x0]  }
0xb3: {  	v2 =	vadd.f32 v1, v2  }
0xb4: {  	s26 =	simm.s32 $0x10;
	v1 =	vld [tilespmem:$0x8800]  }
0xb5: {  	v4 =	vmov s26;
	v5 =	vadd.f32 v2, v5  }
0xb6: {  	v2 =	vshll.u32 v4, $0x5  }
0xb7: {  	v2 =	vor.u32 v0, v2;
	v3 =	vadd.f32 v5, v3;
	_ =	sdelay $0x1  }
0xb8: {  	v4 =	vor.u32 $0x1, v2;
	v3 =	vadd.f32 v3, v1;
	_ =	sdelay $0x1  }
0xb9: {  	v5 =	vor.u32 $0x2, v2;
	[tilespmem:s21+$0x0] =	vst v3  }
0xba: {  	v3 =	vld.idx.msk [tilespmem:v2+s16+$0x0], $0xffff  }
0xbb: {  	v7 =	vor.u32 $0x3, v2;
	v6 =	vld.idx.msk [tilespmem:v2+s17+$0x0], $0xffff  }
0xbc: {  	v23 =	vld.idx.msk [tilespmem:v4+s16+$0x0], $0xffff  }
0xbd: {  	v24 =	vor.u32 $0x4, v2;
	v4 =	vld.idx.msk [tilespmem:v4+s17+$0x0], $0xffff  }
0xbe: {  	v25 =	vld.idx.msk [tilespmem:v5+s16+$0x0], $0xffff  }
0xbf: {  	v26 =	vor.u32 $0x5, v2;
	v5 =	vld.idx.msk [tilespmem:v5+s17+$0x0], $0xffff  }
0xc0: {  	v27 =	vld.idx.msk [tilespmem:v7+s16+$0x0], $0xffff;
	v3 =	vmax.f32 v3, $0.0e+00;
	v6 =	vmax.f32 v6, $0.0e+00  }
0xc1: {  	v28 =	vor.u32 $0x6, v2;
	v7 =	vld.idx.msk [tilespmem:v7+s17+$0x0], $0xffff;
	v3 =	vmul.f32 v6, v3  }
0xc2: {  	v9 =	vld.idx.msk [tilespmem:v24+s17+$0x0], $0xffff;
	v8 =	vmax.f32 v23, $0.0e+00;
	v4 =	vmax.f32 v4, $0.0e+00  }
0xc3: {  	v29 =	vor.u32 $0x7, v2;
	v6 =	vld.idx.msk [tilespmem:v24+s16+$0x0], $0xffff;
	v4 =	vmul.f32 v4, v8;
	v3 =	vadd.f32 $0.0e+00, v3  }
0xc4: {  	v30 =	vld.idx.msk [tilespmem:v26+s16+$0x0], $0xffff;
	v10 =	vmax.f32 v25, $0.0e+00;
	v5 =	vmax.f32 v5, $0.0e+00  }
0xc5: {  	v15 =	vor.u32 $0x8, v2;
	v11 =	vld.idx.msk [tilespmem:v26+s17+$0x0], $0xffff;
	v3 =	vadd.f32 v4, v3;
	v4 =	vmul.f32 v5, v10  }
0xc6: {  	v32 =	vld.idx.msk [tilespmem:v28+s17+$0x0], $0xffff;
	v31 =	vmax.f32 v27, $0.0e+00;
	v7 =	vmax.f32 v7, $0.0e+00  }
0xc7: {  	v33 =	vor.u32 $0x9, v2;
	v5 =	vld.idx.msk [tilespmem:v28+s16+$0x0], $0xffff;
	v3 =	vadd.f32 v4, v3;
	v4 =	vmul.f32 v7, v31  }
0xc8: {  	v34 =	vld.idx.msk [tilespmem:v29+s17+$0x0], $0xffff;
	v9 =	vmax.f32 v9, $0.0e+00;
	v6 =	vmax.f32 v6, $0.0e+00  }
0xc9: {  	v35 =	vor.u32 $0xA, v2;
	v7 =	vld.idx.msk [tilespmem:v29+s16+$0x0], $0xffff;
	v3 =	vadd.f32 v4, v3;
	v4 =	vmul.f32 v9, v6  }
0xca: {  	v37 =	vld.idx.msk [tilespmem:v15+s17+$0x0], $0xffff;
	v36 =	vmax.f32 v11, $0.0e+00;
	v8 =	vmax.f32 v30, $0.0e+00  }
0xcb: {  	v38 =	vor.u32 $0xB, v2;
	v6 =	vld.idx.msk [tilespmem:v15+s16+$0x0], $0xffff;
	v3 =	vadd.f32 v4, v3;
	v4 =	vmul.f32 v36, v8  }
0xcc: {  	v39 =	vld.idx.msk [tilespmem:v33+s16+$0x0], $0xffff;
	v40 =	vmax.f32 v32, $0.0e+00;
	v5 =	vmax.f32 v5, $0.0e+00  }
0xcd: {  	v42 =	vor.u32 $0xC, v2;
	v41 =	vld.idx.msk [tilespmem:v33+s17+$0x0], $0xffff;
	v3 =	vadd.f32 v4, v3;
	v4 =	vmul.f32 v40, v5  }
0xce: {  	v44 =	vld.idx.msk [tilespmem:v35+s17+$0x0], $0xffff;
	v43 =	vmax.f32 v34, $0.0e+00;
	v7 =	vmax.f32 v7, $0.0e+00  }
0xcf: {  	v45 =	vor.u32 $0xD, v2;
	v5 =	vld.idx.msk [tilespmem:v35+s16+$0x0], $0xffff;
	v3 =	vadd.f32 v4, v3;
	v4 =	vmul.f32 v43, v7  }
0xd0: {  	v47 =	vld.idx.msk [tilespmem:v38+s17+$0x0], $0xffff;
	v46 =	vmax.f32 v37, $0.0e+00;
	v6 =	vmax.f32 v6, $0.0e+00  }
0xd1: {  	v48 =	vor.u32 $0xE, v2;
	v7 =	vld.idx.msk [tilespmem:v38+s16+$0x0], $0xffff;
	v3 =	vadd.f32 v4, v3;
	v4 =	vmul.f32 v46, v6  }
0xd2: {  	v50 =	vld.idx.msk [tilespmem:v42+s17+$0x0], $0xffff;
	v49 =	vmax.f32 v41, $0.0e+00;
	v8 =	vmax.f32 v39, $0.0e+00  }
0xd3: {  	v51 =	vor.u32 $0xF, v2;
	v6 =	vld.idx.msk [tilespmem:v42+s16+$0x0], $0xffff;
	v3 =	vadd.f32 v4, v3;
	v4 =	vmul.f32 v49, v8  }
0xd4: {  	v52 =	vld.idx.msk [tilespmem:v45+s16+$0x0], $0xffff;
	v53 =	vmax.f32 v44, $0.0e+00;
	v5 =	vmax.f32 v5, $0.0e+00  }
0xd5: {  	v55 =	vor.u32 $0x10, v2;
	v54 =	vld.idx.msk [tilespmem:v45+s17+$0x0], $0xffff;
	v3 =	vadd.f32 v4, v3;
	v4 =	vmul.f32 v53, v5  }
0xd6: {  	v57 =	vld.idx.msk [tilespmem:v48+s17+$0x0], $0xffff;
	v56 =	vmax.f32 v47, $0.0e+00;
	v7 =	vmax.f32 v7, $0.0e+00  }
0xd7: {  	v58 =	vor.u32 $0x11, v2;
	v5 =	vld.idx.msk [tilespmem:v48+s16+$0x0], $0xffff;
	v3 =	vadd.f32 v4, v3;
	v4 =	vmul.f32 v56, v7  }
0xd8: {  	v60 =	vld.idx.msk [tilespmem:v51+s17+$0x0], $0xffff;
	v59 =	vmax.f32 v50, $0.0e+00;
	v6 =	vmax.f32 v6, $0.0e+00  }
0xd9: {  	v61 =	vor.u32 $0x12, v2;
	v7 =	vld.idx.msk [tilespmem:v51+s16+$0x0], $0xffff;
	v3 =	vadd.f32 v4, v3;
	v4 =	vmul.f32 v59, v6  }
0xda: {  	v63 =	vld.idx.msk [tilespmem:v55+s17+$0x0], $0xffff;
	v62 =	vmax.f32 v54, $0.0e+00;
	v8 =	vmax.f32 v52, $0.0e+00  }
0xdb: {  	v18 =	vor.u32 $0x13, v2;
	v6 =	vld.idx.msk [tilespmem:v55+s16+$0x0], $0xffff;
	v3 =	vadd.f32 v4, v3;
	v4 =	vmul.f32 v62, v8  }
0xdc: {  	v19 =	vld.idx.msk [tilespmem:v58+s16+$0x0], $0xffff;
	v20 =	vmax.f32 v57, $0.0e+00;
	v5 =	vmax.f32 v5, $0.0e+00  }
0xdd: {  	v22 =	vor.u32 $0x14, v2;
	v21 =	vld.idx.msk [tilespmem:v58+s17+$0x0], $0xffff;
	v3 =	vadd.f32 v4, v3;
	v4 =	vmul.f32 v20, v5  }
0xde: {  	v23 =	vmax.f32 v60, $0.0e+00;
	v24 =	vld.idx.msk [tilespmem:v61+s17+$0x0], $0xffff;
	v7 =	vmax.f32 v7, $0.0e+00  }
0xdf: {  	v25 =	vor.u32 $0x15, v2;
	v5 =	vld.idx.msk [tilespmem:v61+s16+$0x0], $0xffff;
	v3 =	vadd.f32 v4, v3;
	v4 =	vmul.f32 v23, v7  }
0xe0: {  	v26 =	vmax.f32 v63, $0.0e+00;
	v27 =	vld.idx.msk [tilespmem:v18+s17+$0x0], $0xffff;
	v6 =	vmax.f32 v6, $0.0e+00  }
0xe1: {  	v28 =	vor.u32 $0x16, v2;
	v7 =	vld.idx.msk [tilespmem:v18+s16+$0x0], $0xffff;
	v3 =	vadd.f32 v4, v3;
	v4 =	vmul.f32 v26, v6  }
0xe2: {  	v30 =	vld.idx.msk [tilespmem:v22+s17+$0x0], $0xffff;
	v29 =	vmax.f32 v21, $0.0e+00;
	v8 =	vmax.f32 v19, $0.0e+00  }
0xe3: {  	v31 =	vor.u32 $0x17, v2;
	v6 =	vld.idx.msk [tilespmem:v22+s16+$0x0], $0xffff;
	v3 =	vadd.f32 v4, v3;
	v4 =	vmul.f32 v29, v8  }
0xe4: {  	v32 =	vld.idx.msk [tilespmem:v25+s16+$0x0], $0xffff;
	v33 =	vmax.f32 v24, $0.0e+00;
	v5 =	vmax.f32 v5, $0.0e+00  }
0xe5: {  	v34 =	vld.idx.msk [tilespmem:v25+s17+$0x0], $0xffff;
	v35 =	vor.u32 $0x18, v2;
	v3 =	vadd.f32 v4, v3;
	v4 =	vmul.f32 v33, v5  }
0xe6: {  	v37 =	vld.idx.msk [tilespmem:v28+s17+$0x0], $0xffff;
	v36 =	vmax.f32 v27, $0.0e+00;
	v7 =	vmax.f32 v7, $0.0e+00  }
0xe7: {  	v38 =	vor.u32 $0x19, v2;
	v5 =	vld.idx.msk [tilespmem:v28+s16+$0x0], $0xffff;
	v3 =	vadd.f32 v4, v3;
	v4 =	vmul.f32 v36, v7  }
0xe8: {  	v39 =	vmax.f32 v30, $0.0e+00;
	v40 =	vld.idx.msk [tilespmem:v31+s17+$0x0], $0xffff;
	v6 =	vmax.f32 v6, $0.0e+00  }
0xe9: {  	v41 =	vor.u32 $0x1A, v2;
	v7 =	vld.idx.msk [tilespmem:v31+s16+$0x0], $0xffff;
	v3 =	vadd.f32 v4, v3;
	v4 =	vmul.f32 v39, v6  }
0xea: {  	v42 =	vmax.f32 v34, $0.0e+00;
	v43 =	vld.idx.msk [tilespmem:v35+s17+$0x0], $0xffff;
	v8 =	vmax.f32 v32, $0.0e+00  }
0xeb: {  	v44 =	vor.u32 $0x1B, v2;
	v6 =	vld.idx.msk [tilespmem:v35+s16+$0x0], $0xffff;
	v3 =	vadd.f32 v4, v3;
	v4 =	vmul.f32 v42, v8  }
0xec: {  	v46 =	vmax.f32 v37, $0.0e+00;
	v45 =	vld.idx.msk [tilespmem:v38+s16+$0x0], $0xffff;
	v5 =	vmax.f32 v5, $0.0e+00  }
0xed: {  	v47 =	vld.idx.msk [tilespmem:v38+s17+$0x0], $0xffff;
	v48 =	vor.u32 $0x1C, v2;
	v3 =	vadd.f32 v4, v3;
	v4 =	vmul.f32 v46, v5  }
0xee: {  	v50 =	vld.idx.msk [tilespmem:v41+s17+$0x0], $0xffff;
	v49 =	vmax.f32 v40, $0.0e+00;
	v7 =	vmax.f32 v7, $0.0e+00  }
0xef: {  	v51 =	vor.u32 $0x1D, v2;
	v5 =	vld.idx.msk [tilespmem:v41+s16+$0x0], $0xffff;
	v3 =	vadd.f32 v4, v3;
	v4 =	vmul.f32 v49, v7  }
0xf0: {  	v53 =	vld.idx.msk [tilespmem:v44+s17+$0x0], $0xffff;
	v52 =	vmax.f32 v43, $0.0e+00;
	v6 =	vmax.f32 v6, $0.0e+00  }
0xf1: {  	v54 =	vor.u32 $0x1E, v2;
	v7 =	vld.idx.msk [tilespmem:v44+s16+$0x0], $0xffff;
	v3 =	vadd.f32 v4, v3;
	v4 =	vmul.f32 v52, v6  }
0xf2: {  	v55 =	vmax.f32 v47, $0.0e+00;
	v56 =	vld.idx.msk [tilespmem:v48+s17+$0x0], $0xffff;
	v8 =	vmax.f32 v45, $0.0e+00  }
0xf3: {  	v2 =	vor.u32 $0x1F, v2;
	v6 =	vld.idx.msk [tilespmem:v48+s16+$0x0], $0xffff;
	v3 =	vadd.f32 v4, v3;
	v4 =	vmul.f32 v55, v8  }
0xf4: {  	v58 =	vmax.f32 v50, $0.0e+00;
	v57 =	vld.idx.msk [tilespmem:v51+s16+$0x0], $0xffff;
	v5 =	vmax.f32 v5, $0.0e+00  }
0xf5: {  	v59 =	vld.idx.msk [tilespmem:v51+s17+$0x0], $0xffff;
	v3 =	vadd.f32 v4, v3;
	v4 =	vmul.f32 v58, v5  }
0xf6: {  	v60 =	vmax.f32 v53, $0.0e+00;
	v61 =	vld.idx.msk [tilespmem:v54+s17+$0x0], $0xffff;
	v7 =	vmax.f32 v7, $0.0e+00  }
0xf7: {  	v5 =	vld.idx.msk [tilespmem:v54+s16+$0x0], $0xffff;
	v3 =	vadd.f32 v4, v3;
	v4 =	vmul.f32 v60, v7  }
0xf8: {  	v62 =	vmax.f32 v56, $0.0e+00;
	v6 =	vmax.f32 v6, $0.0e+00;
	v7 =	vld.idx.msk [tilespmem:v2+s16+$0x0], $0xffff  }
0xf9: {  	v2 =	vld.idx.msk [tilespmem:v2+s17+$0x0], $0xffff;
	v3 =	vadd.f32 v4, v3;
	v4 =	vmul.f32 v62, v6  }
0xfa: {  	v63 =	vmax.f32 v59, $0.0e+00;
	v6 =	vmax.f32 v57, $0.0e+00  }
0xfb: {  	v3 =	vadd.f32 v4, v3;
	v4 =	vmul.f32 v63, v6  }
0xfc: {  	v5 =	vmax.f32 v5, $0.0e+00;
	v6 =	vmax.f32 v61, $0.0e+00  }
0xfd: {  	v3 =	vadd.f32 v4, v3;
	v4 =	vmul.f32 v6, v5  }
0xfe: {  	s24 =	simm.s32 $0x8410;
	v2 =	vmax.f32 v2, $0.0e+00;
	v5 =	vmax.f32 v7, $0.0e+00  }
0xff: {  	v6 =	vld [tilespmem:s24+$0x0];
	v2 =	vmul.f32 v2, v5;
	v3 =	vadd.f32 v4, v3  }
0x100: {  	s26 =	simm.s32 $0x8610  }
0x101: {  	v2 =	vadd.f32 v2, v3;
	v3 =	vld [tilespmem:s26+$0x0];
	_ =	sdelay $0x1  }
0x102: {  	s28 =	simm.s32 $0x20  }
0x103: {  	v5 =	vmov s28;
	v4 =	vadd.f32 v2, v6  }
0x104: {  	s29 =	simm.s32 $0x30;
	s28 =	simm.s32 $0x8810;
	v2 =	vshll.u32 v5, $0x5  }
.LBB2_2:
0x105: {  	p0 =	sne.s32 s29, $0x1F0;
	v2 =	vor.u32 v0, v2;
	v3 =	vadd.f32 v4, v3;
	_ =	sdelay $0x1  }
0x106: {  	v4 =	vor.u32 $0x1, v2;
	v3 =	vadd.f32 v3, v1  }
0x107: {  	s28 =	sadd.s32 $0x10, s28  }
0x108: {  	v5 =	vor.u32 $0x2, v2;
	[tilespmem:s28+$0x0] =	vst v3  }
0x109: {  	v3 =	vld.idx.msk [tilespmem:v2+s16+$0x0], $0xffff  }
0x10a: {  	v7 =	vor.u32 $0x3, v2;
	v6 =	vld.idx.msk [tilespmem:v2+s17+$0x0], $0xffff  }
0x10b: {  	v8 =	vld.idx.msk [tilespmem:v4+s16+$0x0], $0xffff  }
0x10c: {  	v9 =	vor.u32 $0x4, v2;
	v4 =	vld.idx.msk [tilespmem:v4+s17+$0x0], $0xffff  }
0x10d: {  	v10 =	vld.idx.msk [tilespmem:v5+s16+$0x0], $0xffff  }
0x10e: {  	v11 =	vor.u32 $0x5, v2;
	v5 =	vld.idx.msk [tilespmem:v5+s17+$0x0], $0xffff  }
0x10f: {  	v12 =	vld.idx.msk [tilespmem:v7+s16+$0x0], $0xffff  }
0x110: {  	v13 =	vor.u32 $0x6, v2;
	v3 =	vmax.f32 v3, $0.0e+00;
	v6 =	vmax.f32 v6, $0.0e+00;
	v7 =	vld.idx.msk [tilespmem:v7+s17+$0x0], $0xffff  }
0x111: {  	v3 =	vmul.f32 v6, v3;
	v6 =	vld.idx.msk [tilespmem:v9+s16+$0x0], $0xffff  }
0x112: {  	v14 =	vor.u32 $0x7, v2;
	v8 =	vmax.f32 v8, $0.0e+00;
	v4 =	vmax.f32 v4, $0.0e+00;
	v9 =	vld.idx.msk [tilespmem:v9+s17+$0x0], $0xffff  }
0x113: {  	v3 =	vadd.f32 $0.0e+00, v3;
	v4 =	vmul.f32 v4, v8;
	v8 =	vld.idx.msk [tilespmem:v11+s16+$0x0], $0xffff  }
0x114: {  	v15 =	vor.u32 $0x8, v2;
	v10 =	vmax.f32 v10, $0.0e+00;
	v5 =	vmax.f32 v5, $0.0e+00;
	v11 =	vld.idx.msk [tilespmem:v11+s17+$0x0], $0xffff  }
0x115: {  	v3 =	vadd.f32 v4, v3;
	v4 =	vmul.f32 v5, v10;
	v5 =	vld.idx.msk [tilespmem:v13+s16+$0x0], $0xffff  }
0x116: {  	v10 =	vmax.f32 v12, $0.0e+00;
	v7 =	vmax.f32 v7, $0.0e+00;
	v12 =	vld.idx.msk [tilespmem:v13+s17+$0x0], $0xffff;
	v13 =	vor.u32 $0x9, v2  }
0x117: {  	v3 =	vadd.f32 v4, v3;
	v4 =	vmul.f32 v7, v10;
	v7 =	vld.idx.msk [tilespmem:v14+s16+$0x0], $0xffff  }
0x118: {  	v6 =	vmax.f32 v6, $0.0e+00;
	v9 =	vmax.f32 v9, $0.0e+00;
	v10 =	vld.idx.msk [tilespmem:v14+s17+$0x0], $0xffff;
	v14 =	vor.u32 $0xA, v2  }
0x119: {  	v3 =	vadd.f32 v4, v3;
	v4 =	vmul.f32 v9, v6;
	v6 =	vld.idx.msk [tilespmem:v15+s16+$0x0], $0xffff  }
0x11a: {  	v8 =	vmax.f32 v8, $0.0e+00;
	v9 =	vmax.f32 v11, $0.0e+00;
	v11 =	vld.idx.msk [tilespmem:v15+s17+$0x0], $0xffff;
	v15 =	vor.u32 $0xB, v2  }
0x11b: {  	v3 =	vadd.f32 v4, v3;
	v4 =	vmul.f32 v9, v8;
	v8 =	vld.idx.msk [tilespmem:v13+s16+$0x0], $0xffff  }
0x11c: {  	v5 =	vmax.f32 v5, $0.0e+00;
	v9 =	vmax.f32 v12, $0.0e+00;
	v12 =	vld.idx.msk [tilespmem:v13+s17+$0x0], $0xffff;
	v13 =	vor.u32 $0xC, v2  }
0x11d: {  	v3 =	vadd.f32 v4, v3;
	v4 =	vmul.f32 v9, v5;
	v5 =	vld.idx.msk [tilespmem:v14+s16+$0x0], $0xffff  }
0x11e: {  	v7 =	vmax.f32 v7, $0.0e+00;
	v9 =	vmax.f32 v10, $0.0e+00;
	v10 =	vld.idx.msk [tilespmem:v14+s17+$0x0], $0xffff;
	v14 =	vor.u32 $0xD, v2  }
0x11f: {  	v3 =	vadd.f32 v4, v3;
	v4 =	vmul.f32 v9, v7;
	v7 =	vld.idx.msk [tilespmem:v15+s16+$0x0], $0xffff  }
0x120: {  	v6 =	vmax.f32 v6, $0.0e+00;
	v9 =	vmax.f32 v11, $0.0e+00;
	v11 =	vld.idx.msk [tilespmem:v15+s17+$0x0], $0xffff;
	v15 =	vor.u32 $0xE, v2  }
0x121: {  	v3 =	vadd.f32 v4, v3;
	v4 =	vmul.f32 v9, v6;
	v6 =	vld.idx.msk [tilespmem:v13+s16+$0x0], $0xffff  }
0x122: {  	v8 =	vmax.f32 v8, $0.0e+00;
	v9 =	vmax.f32 v12, $0.0e+00;
	v12 =	vld.idx.msk [tilespmem:v13+s17+$0x0], $0xffff;
	v13 =	vor.u32 $0xF, v2  }
0x123: {  	v3 =	vadd.f32 v4, v3;
	v4 =	vmul.f32 v9, v8;
	v8 =	vld.idx.msk [tilespmem:v14+s16+$0x0], $0xffff  }
0x124: {  	v5 =	vmax.f32 v5, $0.0e+00;
	v9 =	vmax.f32 v10, $0.0e+00;
	v10 =	vld.idx.msk [tilespmem:v14+s17+$0x0], $0xffff;
	v14 =	vor.u32 $0x10, v2  }
0x125: {  	v3 =	vadd.f32 v4, v3;
	v4 =	vmul.f32 v9, v5;
	v5 =	vld.idx.msk [tilespmem:v15+s16+$0x0], $0xffff  }
0x126: {  	v7 =	vmax.f32 v7, $0.0e+00;
	v9 =	vmax.f32 v11, $0.0e+00;
	v11 =	vld.idx.msk [tilespmem:v15+s17+$0x0], $0xffff;
	v15 =	vor.u32 $0x11, v2  }
0x127: {  	v3 =	vadd.f32 v4, v3;
	v4 =	vmul.f32 v9, v7;
	v7 =	vld.idx.msk [tilespmem:v13+s16+$0x0], $0xffff  }
0x128: {  	v6 =	vmax.f32 v6, $0.0e+00;
	v9 =	vmax.f32 v12, $0.0e+00;
	v12 =	vld.idx.msk [tilespmem:v13+s17+$0x0], $0xffff;
	v13 =	vor.u32 $0x12, v2  }
0x129: {  	v3 =	vadd.f32 v4, v3;
	v4 =	vmul.f32 v9, v6;
	v6 =	vld.idx.msk [tilespmem:v14+s16+$0x0], $0xffff  }
0x12a: {  	v8 =	vmax.f32 v8, $0.0e+00;
	v9 =	vmax.f32 v10, $0.0e+00;
	v10 =	vld.idx.msk [tilespmem:v14+s17+$0x0], $0xffff;
	v14 =	vor.u32 $0x13, v2  }
0x12b: {  	v3 =	vadd.f32 v4, v3;
	v4 =	vmul.f32 v9, v8;
	v8 =	vld.idx.msk [tilespmem:v15+s16+$0x0], $0xffff  }
0x12c: {  	v5 =	vmax.f32 v5, $0.0e+00;
	v9 =	vmax.f32 v11, $0.0e+00;
	v11 =	vld.idx.msk [tilespmem:v15+s17+$0x0], $0xffff;
	v15 =	vor.u32 $0x14, v2  }
0x12d: {  	v3 =	vadd.f32 v4, v3;
	v4 =	vmul.f32 v9, v5;
	v5 =	vld.idx.msk [tilespmem:v13+s16+$0x0], $0xffff  }
0x12e: {  	v7 =	vmax.f32 v7, $0.0e+00;
	v9 =	vmax.f32 v12, $0.0e+00;
	v12 =	vld.idx.msk [tilespmem:v13+s17+$0x0], $0xffff;
	v13 =	vor.u32 $0x15, v2  }
0x12f: {  	v3 =	vadd.f32 v4, v3;
	v4 =	vmul.f32 v9, v7;
	v7 =	vld.idx.msk [tilespmem:v14+s16+$0x0], $0xffff  }
0x130: {  	v6 =	vmax.f32 v6, $0.0e+00;
	v9 =	vmax.f32 v10, $0.0e+00;
	v10 =	vld.idx.msk [tilespmem:v14+s17+$0x0], $0xffff;
	v14 =	vor.u32 $0x16, v2  }
0x131: {  	v3 =	vadd.f32 v4, v3;
	v4 =	vmul.f32 v9, v6;
	v6 =	vld.idx.msk [tilespmem:v15+s16+$0x0], $0xffff  }
0x132: {  	v8 =	vmax.f32 v8, $0.0e+00;
	v9 =	vmax.f32 v11, $0.0e+00;
	v11 =	vld.idx.msk [tilespmem:v15+s17+$0x0], $0xffff;
	v15 =	vor.u32 $0x17, v2  }
0x133: {  	v3 =	vadd.f32 v4, v3;
	v4 =	vmul.f32 v9, v8;
	v8 =	vld.idx.msk [tilespmem:v13+s16+$0x0], $0xffff  }
0x134: {  	v5 =	vmax.f32 v5, $0.0e+00;
	v9 =	vmax.f32 v12, $0.0e+00;
	v12 =	vld.idx.msk [tilespmem:v13+s17+$0x0], $0xffff;
	v13 =	vor.u32 $0x18, v2  }
0x135: {  	v3 =	vadd.f32 v4, v3;
	v4 =	vmul.f32 v9, v5;
	v5 =	vld.idx.msk [tilespmem:v14+s16+$0x0], $0xffff  }
0x136: {  	v7 =	vmax.f32 v7, $0.0e+00;
	v9 =	vmax.f32 v10, $0.0e+00;
	v10 =	vld.idx.msk [tilespmem:v14+s17+$0x0], $0xffff;
	v14 =	vor.u32 $0x19, v2  }
0x137: {  	v3 =	vadd.f32 v4, v3;
	v4 =	vmul.f32 v9, v7;
	v7 =	vld.idx.msk [tilespmem:v15+s16+$0x0], $0xffff  }
0x138: {  	v6 =	vmax.f32 v6, $0.0e+00;
	v9 =	vmax.f32 v11, $0.0e+00;
	v11 =	vld.idx.msk [tilespmem:v15+s17+$0x0], $0xffff;
	v15 =	vor.u32 $0x1A, v2  }
0x139: {  	v3 =	vadd.f32 v4, v3;
	v4 =	vmul.f32 v9, v6;
	v6 =	vld.idx.msk [tilespmem:v13+s16+$0x0], $0xffff  }
0x13a: {  	v8 =	vmax.f32 v8, $0.0e+00;
	v9 =	vmax.f32 v12, $0.0e+00;
	v12 =	vld.idx.msk [tilespmem:v13+s17+$0x0], $0xffff;
	v13 =	vor.u32 $0x1B, v2  }
0x13b: {  	v3 =	vadd.f32 v4, v3;
	v4 =	vmul.f32 v9, v8;
	v8 =	vld.idx.msk [tilespmem:v14+s16+$0x0], $0xffff  }
0x13c: {  	v5 =	vmax.f32 v5, $0.0e+00;
	v9 =	vmax.f32 v10, $0.0e+00;
	v10 =	vld.idx.msk [tilespmem:v14+s17+$0x0], $0xffff;
	v14 =	vor.u32 $0x1C, v2  }
0x13d: {  	v3 =	vadd.f32 v4, v3;
	v4 =	vmul.f32 v9, v5;
	v5 =	vld.idx.msk [tilespmem:v15+s16+$0x0], $0xffff  }
0x13e: {  	v7 =	vmax.f32 v7, $0.0e+00;
	v9 =	vmax.f32 v11, $0.0e+00;
	v11 =	vld.idx.msk [tilespmem:v15+s17+$0x0], $0xffff;
	v15 =	vor.u32 $0x1D, v2  }
0x13f: {  	v3 =	vadd.f32 v4, v3;
	v4 =	vmul.f32 v9, v7;
	v7 =	vld.idx.msk [tilespmem:v13+s16+$0x0], $0xffff  }
0x140: {  	v6 =	vmax.f32 v6, $0.0e+00;
	v9 =	vmax.f32 v12, $0.0e+00;
	v12 =	vld.idx.msk [tilespmem:v13+s17+$0x0], $0xffff;
	v13 =	vor.u32 $0x1E, v2  }
0x141: {  	v3 =	vadd.f32 v4, v3;
	v4 =	vmul.f32 v9, v6;
	v6 =	vld.idx.msk [tilespmem:v14+s16+$0x0], $0xffff  }
0x142: {  	v8 =	vmax.f32 v8, $0.0e+00;
	v2 =	vor.u32 $0x1F, v2;
	v9 =	vmax.f32 v10, $0.0e+00;
	v10 =	vld.idx.msk [tilespmem:v14+s17+$0x0], $0xffff  }
0x143: {  	v3 =	vadd.f32 v4, v3;
	v4 =	vmul.f32 v9, v8;
	v8 =	vld.idx.msk [tilespmem:v15+s16+$0x0], $0xffff  }
0x144: {  	v5 =	vmax.f32 v5, $0.0e+00;
	v9 =	vmax.f32 v11, $0.0e+00;
	v11 =	vld.idx.msk [tilespmem:v15+s17+$0x0], $0xffff  }
0x145: {  	v3 =	vadd.f32 v4, v3;
	v4 =	vmul.f32 v9, v5;
	v5 =	vld.idx.msk [tilespmem:v13+s16+$0x0], $0xffff  }
0x146: {  	v7 =	vmax.f32 v7, $0.0e+00;
	v9 =	vmax.f32 v12, $0.0e+00;
	v12 =	vld.idx.msk [tilespmem:v13+s17+$0x0], $0xffff  }
0x147: {  	v3 =	vadd.f32 v4, v3;
	v4 =	vmul.f32 v9, v7;
	v7 =	vld.idx.msk [tilespmem:v2+s16+$0x0], $0xffff  }
0x148: {  	v6 =	vmax.f32 v6, $0.0e+00;
	v9 =	vmax.f32 v10, $0.0e+00;
	v2 =	vld.idx.msk [tilespmem:v2+s17+$0x0], $0xffff  }
0x149: {  	v3 =	vadd.f32 v4, v3;
	v4 =	vmul.f32 v9, v6  }
0x14a: {  	v6 =	vmax.f32 v8, $0.0e+00;
	v8 =	vmax.f32 v11, $0.0e+00  }
0x14b: {  	v3 =	vadd.f32 v4, v3;
	v4 =	vmul.f32 v8, v6  }
0x14c: {  	v5 =	vmax.f32 v5, $0.0e+00;
	v6 =	vmax.f32 v12, $0.0e+00  }
0x14d: {  	s24 =	sadd.s32 $0x10, s24;
	v3 =	vadd.f32 v4, v3;
	v4 =	vmul.f32 v6, v5  }
0x14e: {  	v5 =	vmax.f32 v7, $0.0e+00;
	v2 =	vmax.f32 v2, $0.0e+00;
	v6 =	vld [tilespmem:s24+$0x0]  }
0x14f: {  	s26 =	sadd.s32 $0x10, s26;
	v4 =	vadd.f32 v4, v3;
	v2 =	vmul.f32 v2, v5  }
.Ltmp0:
0x150: {  	v3 =	vld [tilespmem:s26+$0x0];
	(pc) =	sbr.rel @p0 .LBB2_2-.Ltmp0, $3  }
0x151: {  	v2 =	vadd.f32 v2, v4;
	_ =	sdelay $0x1  }
0x152: {  	v5 =	vmov s29;
	v4 =	vadd.f32 v2, v6  }
0x153: {  	s29 =	sadd.s32 $0x10, s29;
	v2 =	vshll.u32 v5, $0x5  }
0x154: {  	v2 =	vor.u32 v0, v2;
	v3 =	vadd.f32 v4, v3;
	_ =	sdelay $0x1  }
0x155: {  	v20 =	vor.u32 $0x1, v2;
	v3 =	vadd.f32 v3, v1  }
0x156: {  	s28 =	sadd.s32 $0x10, s28  }
0x157: {  	v5 =	vor.u32 $0x2, v2;
	[tilespmem:s28+$0x0] =	vst v3  }
0x158: {  	v3 =	vld.idx.msk [tilespmem:v2+s16+$0x0], $0xffff  }
0x159: {  	v7 =	vor.u32 $0x3, v2;
	v6 =	vld.idx.msk [tilespmem:v2+s17+$0x0], $0xffff  }
0x15a: {  	v8 =	vld.idx.msk [tilespmem:v20+s16+$0x0], $0xffff  }
0x15b: {  	v9 =	vor.u32 $0x4, v2;
	v4 =	vld.idx.msk [tilespmem:v20+s17+$0x0], $0xffff  }
0x15c: {  	v10 =	vld.idx.msk [tilespmem:v5+s16+$0x0], $0xffff  }
0x15d: {  	v11 =	vor.u32 $0x5, v2;
	v5 =	vld.idx.msk [tilespmem:v5+s17+$0x0], $0xffff  }
0x15e: {  	v12 =	vld.idx.msk [tilespmem:v7+s16+$0x0], $0xffff;
	v3 =	vmax.f32 v3, $0.0e+00;
	v6 =	vmax.f32 v6, $0.0e+00  }
0x15f: {  	v13 =	vor.u32 $0x6, v2;
	v7 =	vld.idx.msk [tilespmem:v7+s17+$0x0], $0xffff;
	v3 =	vmul.f32 v6, v3  }
0x160: {  	v21 =	vld.idx.msk [tilespmem:v9+s16+$0x0], $0xffff;
	v8 =	vmax.f32 v8, $0.0e+00;
	v4 =	vmax.f32 v4, $0.0e+00  }
0x161: {  	v14 =	vor.u32 $0x7, v2;
	v9 =	vld.idx.msk [tilespmem:v9+s17+$0x0], $0xffff;
	v4 =	vmul.f32 v4, v8;
	v3 =	vadd.f32 $0.0e+00, v3  }
0x162: {  	v22 =	vld.idx.msk [tilespmem:v11+s16+$0x0], $0xffff;
	v10 =	vmax.f32 v10, $0.0e+00;
	v5 =	vmax.f32 v5, $0.0e+00  }
0x163: {  	v15 =	vor.u32 $0x8, v2;
	v11 =	vld.idx.msk [tilespmem:v11+s17+$0x0], $0xffff;
	v23 =	vmul.f32 v5, v10;
	v3 =	vadd.f32 v4, v3  }
0x164: {  	v24 =	vld.idx.msk [tilespmem:v13+s16+$0x0], $0xffff;
	v25 =	vmax.f32 v12, $0.0e+00;
	v7 =	vmax.f32 v7, $0.0e+00  }
0x165: {  	v27 =	vor.u32 $0x9, v2;
	v26 =	vld.idx.msk [tilespmem:v13+s17+$0x0], $0xffff;
	v28 =	vmul.f32 v7, v25;
	v3 =	vadd.f32 v23, v3  }
0x166: {  	v29 =	vld.idx.msk [tilespmem:v14+s16+$0x0], $0xffff;
	v6 =	vmax.f32 v21, $0.0e+00;
	v9 =	vmax.f32 v9, $0.0e+00  }
0x167: {  	v31 =	vor.u32 $0xA, v2;
	v30 =	vld.idx.msk [tilespmem:v14+s17+$0x0], $0xffff;
	v32 =	vmul.f32 v9, v6;
	v3 =	vadd.f32 v28, v3  }
0x168: {  	v33 =	vld.idx.msk [tilespmem:v15+s16+$0x0], $0xffff;
	v34 =	vmax.f32 v11, $0.0e+00;
	v8 =	vmax.f32 v22, $0.0e+00  }
0x169: {  	v36 =	vor.u32 $0xB, v2;
	v35 =	vld.idx.msk [tilespmem:v15+s17+$0x0], $0xffff;
	v37 =	vmul.f32 v34, v8;
	v3 =	vadd.f32 v32, v3  }
0x16a: {  	v38 =	vld.idx.msk [tilespmem:v27+s16+$0x0], $0xffff;
	v39 =	vmax.f32 v26, $0.0e+00;
	v5 =	vmax.f32 v24, $0.0e+00  }
0x16b: {  	v41 =	vor.u32 $0xC, v2;
	v40 =	vld.idx.msk [tilespmem:v27+s17+$0x0], $0xffff;
	v42 =	vmul.f32 v39, v5;
	v3 =	vadd.f32 v37, v3  }
0x16c: {  	v43 =	vld.idx.msk [tilespmem:v31+s16+$0x0], $0xffff;
	v44 =	vmax.f32 v30, $0.0e+00;
	v7 =	vmax.f32 v29, $0.0e+00  }
0x16d: {  	v46 =	vor.u32 $0xD, v2;
	v45 =	vld.idx.msk [tilespmem:v31+s17+$0x0], $0xffff;
	v47 =	vmul.f32 v44, v7;
	v3 =	vadd.f32 v42, v3  }
0x16e: {  	v48 =	vld.idx.msk [tilespmem:v36+s16+$0x0], $0xffff;
	v49 =	vmax.f32 v35, $0.0e+00;
	v6 =	vmax.f32 v33, $0.0e+00  }
0x16f: {  	v51 =	vor.u32 $0xE, v2;
	v50 =	vld.idx.msk [tilespmem:v36+s17+$0x0], $0xffff;
	v52 =	vmul.f32 v49, v6;
	v3 =	vadd.f32 v47, v3  }
0x170: {  	v53 =	vld.idx.msk [tilespmem:v41+s16+$0x0], $0xffff;
	v54 =	vmax.f32 v40, $0.0e+00;
	v8 =	vmax.f32 v38, $0.0e+00  }
0x171: {  	v56 =	vor.u32 $0xF, v2;
	v55 =	vld.idx.msk [tilespmem:v41+s17+$0x0], $0xffff;
	v57 =	vmul.f32 v54, v8;
	v3 =	vadd.f32 v52, v3  }
0x172: {  	v58 =	vld.idx.msk [tilespmem:v46+s16+$0x0], $0xffff;
	v59 =	vmax.f32 v45, $0.0e+00;
	v5 =	vmax.f32 v43, $0.0e+00  }
0x173: {  	v61 =	vor.u32 $0x10, v2;
	v60 =	vld.idx.msk [tilespmem:v46+s17+$0x0], $0xffff;
	v62 =	vmul.f32 v59, v5;
	v3 =	vadd.f32 v57, v3  }
0x174: {  	v63 =	vld.idx.msk [tilespmem:v51+s16+$0x0], $0xffff;
	v18 =	vmax.f32 v50, $0.0e+00;
	v7 =	vmax.f32 v48, $0.0e+00  }
0x175: {  	v19 =	vld.idx.msk [tilespmem:v51+s17+$0x0], $0xffff;
	v20 =	vor.u32 $0x11, v2;
	v21 =	vmul.f32 v18, v7;
	v3 =	vadd.f32 v62, v3  }
0x176: {  	v22 =	vld.idx.msk [tilespmem:v56+s16+$0x0], $0xffff;
	v6 =	vmax.f32 v53, $0.0e+00;
	v23 =	vmax.f32 v55, $0.0e+00  }
0x177: {  	v24 =	vld.idx.msk [tilespmem:v56+s17+$0x0], $0xffff;
	v25 =	vor.u32 $0x12, v2;
	v26 =	vmul.f32 v23, v6;
	v3 =	vadd.f32 v21, v3  }
0x178: {  	v27 =	vld.idx.msk [tilespmem:v61+s16+$0x0], $0xffff;
	v8 =	vmax.f32 v58, $0.0e+00;
	v28 =	vmax.f32 v60, $0.0e+00  }
0x179: {  	v30 =	vor.u32 $0x13, v2;
	v29 =	vld.idx.msk [tilespmem:v61+s17+$0x0], $0xffff;
	v31 =	vmul.f32 v28, v8;
	v3 =	vadd.f32 v26, v3  }
0x17a: {  	v33 =	vmax.f32 v19, $0.0e+00;
	v34 =	vld.idx.msk [tilespmem:v20+s17+$0x0], $0xffff;
	v5 =	vmax.f32 v63, $0.0e+00  }
0x17b: {  	v35 =	vor.u32 $0x14, v2;
	v36 =	vmul.f32 v33, v5;
	v32 =	vld.idx.msk [tilespmem:v20+s16+$0x0], $0xffff;
	v3 =	vadd.f32 v31, v3  }
0x17c: {  	v7 =	vmax.f32 v22, $0.0e+00;
	v38 =	vmax.f32 v24, $0.0e+00;
	v39 =	vld.idx.msk [tilespmem:v25+s17+$0x0], $0xffff  }
0x17d: {  	v40 =	vor.u32 $0x15, v2;
	v41 =	vmul.f32 v38, v7;
	v37 =	vld.idx.msk [tilespmem:v25+s16+$0x0], $0xffff;
	v3 =	vadd.f32 v36, v3  }
0x17e: {  	v44 =	vld.idx.msk [tilespmem:v30+s17+$0x0], $0xffff;
	v43 =	vmax.f32 v29, $0.0e+00;
	v6 =	vmax.f32 v27, $0.0e+00  }
0x17f: {  	v45 =	vor.u32 $0x16, v2;
	v46 =	vmul.f32 v43, v6;
	v42 =	vld.idx.msk [tilespmem:v30+s16+$0x0], $0xffff;
	v3 =	vadd.f32 v41, v3  }
0x180: {  	v49 =	vld.idx.msk [tilespmem:v35+s17+$0x0], $0xffff;
	v48 =	vmax.f32 v34, $0.0e+00;
	v8 =	vmax.f32 v32, $0.0e+00  }
0x181: {  	v50 =	vor.u32 $0x17, v2;
	v47 =	vld.idx.msk [tilespmem:v35+s16+$0x0], $0xffff;
	v51 =	vmul.f32 v48, v8;
	v3 =	vadd.f32 v46, v3  }
0x182: {  	v54 =	vld.idx.msk [tilespmem:v40+s17+$0x0], $0xffff;
	v53 =	vmax.f32 v39, $0.0e+00;
	v5 =	vmax.f32 v37, $0.0e+00  }
0x183: {  	v55 =	vor.u32 $0x18, v2;
	v52 =	vld.idx.msk [tilespmem:v40+s16+$0x0], $0xffff;
	v56 =	vmul.f32 v53, v5;
	v3 =	vadd.f32 v51, v3  }
0x184: {  	v59 =	vld.idx.msk [tilespmem:v45+s17+$0x0], $0xffff;
	v58 =	vmax.f32 v44, $0.0e+00;
	v7 =	vmax.f32 v42, $0.0e+00  }
0x185: {  	v60 =	vor.u32 $0x19, v2;
	v57 =	vld.idx.msk [tilespmem:v45+s16+$0x0], $0xffff;
	v61 =	vmul.f32 v58, v7;
	v3 =	vadd.f32 v56, v3  }
0x186: {  	v18 =	vld.idx.msk [tilespmem:v50+s17+$0x0], $0xffff;
	v63 =	vmax.f32 v49, $0.0e+00;
	v6 =	vmax.f32 v47, $0.0e+00  }
0x187: {  	v19 =	vor.u32 $0x1A, v2;
	v62 =	vld.idx.msk [tilespmem:v50+s16+$0x0], $0xffff;
	v20 =	vmul.f32 v63, v6;
	v3 =	vadd.f32 v61, v3  }
0x188: {  	v22 =	vmax.f32 v54, $0.0e+00;
	v23 =	vld.idx.msk [tilespmem:v55+s17+$0x0], $0xffff;
	v8 =	vmax.f32 v52, $0.0e+00  }
0x189: {  	v24 =	vor.u32 $0x1B, v2;
	v21 =	vld.idx.msk [tilespmem:v55+s16+$0x0], $0xffff;
	v25 =	vmul.f32 v22, v8;
	v3 =	vadd.f32 v20, v3  }
0x18a: {  	v27 =	vmax.f32 v59, $0.0e+00;
	v28 =	vld.idx.msk [tilespmem:v60+s17+$0x0], $0xffff;
	v5 =	vmax.f32 v57, $0.0e+00  }
0x18b: {  	v29 =	vor.u32 $0x1C, v2;
	v26 =	vld.idx.msk [tilespmem:v60+s16+$0x0], $0xffff;
	v30 =	vmul.f32 v27, v5;
	v3 =	vadd.f32 v25, v3  }
0x18c: {  	v33 =	vld.idx.msk [tilespmem:v19+s17+$0x0], $0xffff;
	v32 =	vmax.f32 v18, $0.0e+00;
	v7 =	vmax.f32 v62, $0.0e+00  }
0x18d: {  	v34 =	vor.u32 $0x1D, v2;
	v31 =	vld.idx.msk [tilespmem:v19+s16+$0x0], $0xffff;
	v35 =	vmul.f32 v32, v7;
	v3 =	vadd.f32 v30, v3  }
0x18e: {  	v38 =	vld.idx.msk [tilespmem:v24+s17+$0x0], $0xffff;
	v37 =	vmax.f32 v23, $0.0e+00;
	v6 =	vmax.f32 v21, $0.0e+00  }
0x18f: {  	v39 =	vor.u32 $0x1E, v2;
	v36 =	vld.idx.msk [tilespmem:v24+s16+$0x0], $0xffff;
	v40 =	vmul.f32 v37, v6;
	v3 =	vadd.f32 v35, v3  }
0x190: {  	v43 =	vld.idx.msk [tilespmem:v29+s17+$0x0], $0xffff;
	v42 =	vmax.f32 v28, $0.0e+00;
	v8 =	vmax.f32 v26, $0.0e+00  }
0x191: {  	v2 =	vor.u32 $0x1F, v2;
	v41 =	vld.idx.msk [tilespmem:v29+s16+$0x0], $0xffff;
	v44 =	vmul.f32 v42, v8;
	v3 =	vadd.f32 v40, v3  }
0x192: {  	v45 =	vld.idx.msk [tilespmem:v34+s16+$0x0], $0xffff;
	v5 =	vmax.f32 v31, $0.0e+00;
	v46 =	vmax.f32 v33, $0.0e+00  }
0x193: {  	v47 =	vld.idx.msk [tilespmem:v34+s17+$0x0], $0xffff;
	v48 =	vmul.f32 v46, v5;
	v3 =	vadd.f32 v44, v3  }
0x194: {  	v49 =	vld.idx.msk [tilespmem:v39+s16+$0x0], $0xffff;
	v50 =	vmax.f32 v38, $0.0e+00;
	v7 =	vmax.f32 v36, $0.0e+00  }
0x195: {  	v51 =	vld.idx.msk [tilespmem:v39+s17+$0x0], $0xffff;
	v52 =	vmul.f32 v50, v7;
	v3 =	vadd.f32 v48, v3  }
0x196: {  	v54 =	vmax.f32 v43, $0.0e+00;
	v53 =	vld.idx.msk [tilespmem:v2+s16+$0x0], $0xffff;
	v6 =	vmax.f32 v41, $0.0e+00  }
0x197: {  	v2 =	vld.idx.msk [tilespmem:v2+s17+$0x0], $0xffff;
	v55 =	vmul.f32 v54, v6;
	v3 =	vadd.f32 v52, v3  }
0x198: {  	v57 =	vmax.f32 v47, $0.0e+00;
	v56 =	vmax.f32 v45, $0.0e+00  }
0x199: {  	v58 =	vmul.f32 v57, v56;
	v3 =	vadd.f32 v55, v3  }
0x19a: {  	v5 =	vmax.f32 v49, $0.0e+00;
	v59 =	vmax.f32 v51, $0.0e+00  }
0x19b: {  	s24 =	sadd.s32 $0x10, s24;
	v60 =	vmul.f32 v59, v5;
	v3 =	vadd.f32 v58, v3  }
0x19c: {  	v2 =	vmax.f32 v2, $0.0e+00;
	v62 =	vld [tilespmem:s24+$0x0];
	v61 =	vmax.f32 v53, $0.0e+00  }
0x19d: {  	s26 =	sadd.s32 $0x10, s26;
	v2 =	vmul.f32 v2, v61;
	v3 =	vadd.f32 v60, v3  }
0x19e: {  	v63 =	vld [tilespmem:s26+$0x0]  }
0x19f: {  	v2 =	vadd.f32 v2, v3;
	_ =	sdelay $0x1  }
0x1a0: {  	v2 =	vadd.f32 v2, v62;
	_ =	sdelay $0x1  }
0x1a1: {  	v2 =	vadd.f32 v2, v63;
	_ =	sdelay $0x1  }
0x1a2: {  	s22 =	sadd.s32 $0x1, s22;
	v1 =	vadd.f32 v2, v1  }
0x1a3: {  	s29 =	sadd.s32 $0x10, s28;
	p0 =	sne.s32 s22, s11  }
.Ltmp1:
0x1a4: {  	[tilespmem:s29+$0x0] =	vst v1;
	(pc) =	sbr.rel @p0 .LBB2_1-.Ltmp1, $4  }
0x1a5: {  	[hbm4b:s10+s2] =	stream.linear.scatter [tilespmem:s21], [sflag:$0x2], $0x200, $0x38;
	[tilespmem:$0x8A10] =	vst v63  }
0x1a6: {  	_ =	swait.ge [sflag:s12], $0x200  }
0x1a7: {  	[sflag:s12] =	ssyncset.done $0x0  }
0x1a8: {  	[sflag:s12] =	ssyncadd.s32 $0xFFFFFE00  }
0x1a9: {  	_ =	sfence.sel $0x180000  }
0x1aa: {  	[bflag:$0x0] =	sbarrier.arrive $0xFFFF  }
0x1ab: {  	_ =	strace $0x90000047  }
0x1ac: {  	s0 =	stileid.u32;
	[bflag:$0x2] =	sbarrier.arrive $0xFFFF  }
0x1ad: {  	p0 =	sne.s32 s0, $0x0;
	s0 =	rddreg [dreg:$0x4]  }
0x1ae: {  	s0 =	sadd.s32 @!p0 $0x100000, s0  }
0x1af: {  	[sflag:s0] =	ssyncadd.tile.s32 @!p0 $0x1;
	_ =	shalt  }
.Lfunc_end2:
_tile_overlayer_lowered:
.L_overlay_start_2:
0x1b0: {  	(tag) =	ssettag $0x2  }
0x1b1: {  	s0 =	rddreg [dreg:$0x0];
	s2 =	stileid.u32  }
0x1b2: {  	s1 =	rddreg [dreg:$0x1];
	p0 =	sne.s32 s2, $0x0  }
0x1b3: {  	s3 =	rddreg [dreg:$0x2];
	[bflag:$0x3] =	sbarrier.arrive $0xFFFF;
	s2 =	simm.s32 @!p0 $0x1C02  }
0x1b4: {  	[timem:s3], [sflag:s2] =	dma.local @!p0 [hbm:s0], s1  }
0x1b5: {  	s0 =	simm.s32 @!p0 $0x2  }
0x1b6: {  	_ =	swait.ge @!p0 [sflag:s0], s1  }
0x1b7: {  	s1 =	ssub.s32 @!p0 $0x0, s1;
	[sflag:s0] =	ssyncset.done @!p0 $0x0  }
0x1b8: {  	[sflag:s0] =	ssyncadd.s32 @!p0 s1  }
0x1b9: {  	[bflag:$0x3] =	sbarrier.arrive $0xFFFF  }
0x1ba: {  	_ =	shalt  }

</sc_bundles>
